<compile_context>
chip_gen: v7x
topology: tpu7x:2x2x1
jax: 0.10.2.dev20260603
libtpu: 0.0.44.dev20260713+nightly
codegen_flags: <defaults>
</compile_context>

<pallas_src>
import functools

import jax
import jax.numpy as jnp
from jax import lax
from jax.experimental import pallas as pl
from jax.experimental.pallas import tpu as pltpu
from jax.experimental.pallas import tpu_sc as plsc

D = 128
NP = 10240
EP = 327680
NW = 32
NCH = 80
CH = 128
RPT = NP // 16
NG = 64

_mesh = plsc.VectorSubcoreMesh(core_axis_name="c", subcore_axis_name="s")


def _make_agg(with_counts):
    if with_counts:
        out_type = (jax.ShapeDtypeStruct((2 * NP, D), jnp.float32),
                    jax.ShapeDtypeStruct((2 * NP,), jnp.float32))
    else:
        out_type = jax.ShapeDtypeStruct((2 * NP, D), jnp.float32)
    scratch = [
        pltpu.VMEM((NCH, CH), jnp.int32),
        pltpu.VMEM((NCH, CH), jnp.int32),
        pltpu.VMEM((CH, D), jnp.float32),
        pltpu.VMEM_SHARED((NP, D), jnp.float32),
        pltpu.SemaphoreType.DMA,
    ]
    if with_counts:
        scratch += [pltpu.VMEM((CH,), jnp.float32),
                    pltpu.VMEM_SHARED((NP,), jnp.float32)]

    def body(*refs):
        if with_counts:
            (h_hbm, src_hbm, dst_hbm, zrow_hbm, zcnt_hbm,
             aggp, cntp, src_v, dst_v, rows_v, acc_sh, sem,
             ones_v, cnt_sh) = refs
        else:
            (h_hbm, src_hbm, dst_hbm, zrow_hbm,
             aggp, src_v, dst_v, rows_v, acc_sh, sem) = refs
        cid = lax.axis_index("c")
        sid = lax.axis_index("s")
        wid = sid * 2 + cid
        pltpu.sync_copy(zrow_hbm, acc_sh.at[pl.ds(sid * RPT, RPT)])
        pltpu.sync_copy(src_hbm.at[wid], src_v)
        pltpu.sync_copy(dst_hbm.at[wid], dst_v)
        if with_counts:
            pltpu.sync_copy(zcnt_hbm, cnt_sh.at[pl.ds(sid * (NP // 16),
                                                      NP // 16)])
            for g in range(CH // 16):
                ones_v[pl.ds(g * 16, 16)] = jnp.ones((16,), jnp.float32)
        plsc.subcore_barrier()

        def chunk(j, carry):
            pltpu.async_copy(h_hbm.at[src_v.at[j]], rows_v, sem).wait()
            pltpu.sync_copy(rows_v, acc_sh.at[dst_v.at[j]], add=True)
            if with_counts:
                pltpu.sync_copy(ones_v, cnt_sh.at[dst_v.at[j]], add=True)
            return carry

        lax.fori_loop(0, NCH, chunk, 0)
        plsc.subcore_barrier()
        pltpu.sync_copy(acc_sh.at[pl.ds(sid * RPT, RPT)],
                        aggp.at[pl.ds(cid * NP + sid * RPT, RPT)])
        if with_counts:
            pltpu.sync_copy(cnt_sh.at[pl.ds(sid * (NP // 16), NP // 16)],
                            cntp.at[pl.ds(cid * NP + sid * (NP // 16),
                                          NP // 16)])

    return pl.kernel(body, out_type=out_type, mesh=_mesh,
                     scratch_types=scratch)


_agg_counts = _make_agg(True)
_agg = _make_agg(False)


def _layer_body(aggp_ref, cntp_ref, h_ref, wl_ref, b_ref, wr_ref, o_ref):
    aggs = aggp_ref[0] + aggp_ref[1]
    cnt = jnp.sum(cntp_ref[...], axis=0)
    inv = 1.0 / jnp.maximum(cnt, 1.0)
    a = aggs * inv
    out = (jnp.dot(a, wl_ref[...], preferred_element_type=jnp.float32)
           + b_ref[...]
           + jnp.dot(h_ref[...], wr_ref[...], preferred_element_type=jnp.float32))
    o_ref[...] = jnp.maximum(out, 0.0)


def _tc_layer(aggp, cntp, h, wlT, b, wrT, block=512):
    grid = (NP // block,)
    return pl.pallas_call(
        _layer_body,
        grid=grid,
        in_specs=[
            pl.BlockSpec((2, block, D), lambda i: (0, i, 0)),
            pl.BlockSpec((2, block, 1), lambda i: (0, i, 0)),
            pl.BlockSpec((block, D), lambda i: (i, 0)),
            pl.BlockSpec((D, D), lambda i: (0, 0)),
            pl.BlockSpec((1, D), lambda i: (0, 0)),
            pl.BlockSpec((D, D), lambda i: (0, 0)),
        ],
        out_specs=pl.BlockSpec((block, D), lambda i: (i, 0)),
        out_shape=jax.ShapeDtypeStruct((NP, D), jnp.float32),
    )(aggp, cntp, h, wlT, b, wrT)


def _pool_body(nblk, aggp_ref, cntp_ref, h_ref, wl_ref, b_ref, wr_ref,
               batch_ref, o_ref, cg_ref):
    i = pl.program_id(0)

    @pl.when(i == 0)
    def _():
        o_ref[...] = jnp.zeros_like(o_ref)
        cg_ref[...] = jnp.zeros_like(cg_ref)

    aggs = aggp_ref[0] + aggp_ref[1]
    cnt = jnp.sum(cntp_ref[...], axis=0)
    inv = 1.0 / jnp.maximum(cnt, 1.0)
    a = aggs * inv
    h3 = (jnp.dot(a, wl_ref[...], preferred_element_type=jnp.float32)
          + b_ref[...]
          + jnp.dot(h_ref[...], wr_ref[...], preferred_element_type=jnp.float32))
    h3 = jnp.maximum(h3, 0.0)
    gid = lax.broadcasted_iota(jnp.int32, (1, NG), 1)
    oh = (batch_ref[...] == gid).astype(jnp.float32)
    dn = (((0,), (0,)), ((), ()))
    o_ref[...] += lax.dot_general(oh, h3, dn, preferred_element_type=jnp.float32)
    cg_ref[...] += lax.dot_general(oh, jnp.ones_like(h3), dn,
                                   preferred_element_type=jnp.float32)

    @pl.when(i == nblk - 1)
    def _():
        o_ref[...] = o_ref[...] / jnp.maximum(cg_ref[...], 1.0)


def _tc_pool(aggp, cntp, h, wlT, b, wrT, batch_p, block=512):
    nblk = NP // block
    return pl.pallas_call(
        functools.partial(_pool_body, nblk),
        grid=(nblk,),
        in_specs=[
            pl.BlockSpec((2, block, D), lambda i: (0, i, 0)),
            pl.BlockSpec((2, block, 1), lambda i: (0, i, 0)),
            pl.BlockSpec((block, D), lambda i: (i, 0)),
            pl.BlockSpec((D, D), lambda i: (0, 0)),
            pl.BlockSpec((1, D), lambda i: (0, 0)),
            pl.BlockSpec((D, D), lambda i: (0, 0)),
            pl.BlockSpec((block, 1), lambda i: (i, 0)),
        ],
        out_specs=pl.BlockSpec((NG, D), lambda i: (0, 0)),
        out_shape=jax.ShapeDtypeStruct((NG, D), jnp.float32),
        scratch_shapes=[pltpu.VMEM((NG, D), jnp.float32)],
    )(aggp, cntp, h, wlT, b, wrT, batch_p)


def kernel(x, edge_index, batch, W1l, b1, W1r, W2l, b2, W2r, W3l, b3, W3r):
    n, d = x.shape
    e = edge_index.shape[1]
    src = edge_index[0].astype(jnp.int32)
    dst = edge_index[1].astype(jnp.int32)
    x_pad = jnp.concatenate([x, jnp.zeros((NP - n, d), x.dtype)], axis=0)
    src_r = jnp.concatenate([src, jnp.zeros((EP - e,), jnp.int32)]
                            ).reshape(NW, NCH, CH)
    dst_r = jnp.concatenate([dst, jnp.full((EP - e,), NP - 1, jnp.int32)]
                            ).reshape(NW, NCH, CH)
    batch_p = jnp.concatenate([batch.astype(jnp.int32),
                               jnp.full((NP - n,), NG, jnp.int32)]
                              ).reshape(NP, 1)
    zrow = jnp.zeros((RPT, D), jnp.float32)
    zcnt = jnp.zeros((NP // 16,), jnp.float32)

    aggp1, cntp = _agg_counts(x_pad, src_r, dst_r, zrow, zcnt)
    aggp1 = aggp1.reshape(2, NP, D)
    cntp = cntp.reshape(2, NP, 1)
    h1 = _tc_layer(aggp1, cntp, x_pad, W1l.T, b1.reshape(1, D), W1r.T)
    aggp2 = _agg(h1, src_r, dst_r, zrow).reshape(2, NP, D)
    h2 = _tc_layer(aggp2, cntp, h1, W2l.T, b2.reshape(1, D), W2r.T)
    aggp3 = _agg(h2, src_r, dst_r, zrow).reshape(2, NP, D)
    return _tc_pool(aggp3, cntp, h2, W3l.T, b3.reshape(1, D), W3r.T, batch_p)

# --- scband reference (transcript-rebuilt; emitter-appended) ---
"""Pipeline reference for scband-graph-sageencoder-6923487282696 (READ-ONLY COPY).

The authoritative reference and input builder live on the scoring server;
editing this copy changes nothing except your own understanding.
"""

import jax, jax.numpy as jnp
import numpy as np

N_NODES = 10000
N_EDGES = 320000
D = 128
N_GRAPHS = 64


def _sage_conv(x, src, dst, Wl, bl, Wr, n_nodes):
    # PyG SAGEConv (mean aggregation): out = lin_l(mean_{j->i} x_j) + lin_r(x_i)
    msg = x[src]
    agg = jax.ops.segment_sum(msg, dst, num_segments=n_nodes)
    cnt = jax.ops.segment_sum(jnp.ones((src.shape[0],), x.dtype), dst, num_segments=n_nodes)
    agg = agg / jnp.clip(cnt, 1.0, None)[:, None]
    return agg @ Wl.T + bl + x @ Wr.T


def setup_inputs(seed: int = 0) -> dict:
    key = jax.random.key(seed)
    ks = jax.random.split(key, 16)
    x = jax.random.normal(ks[0], (N_NODES, D), dtype=jnp.float32)
    edge_index = jax.random.randint(ks[1], (2, N_EDGES), 0, N_NODES, dtype=jnp.int64)
    batch = jnp.sort(jax.random.randint(ks[2], (N_NODES,), 0, N_GRAPHS, dtype=jnp.int64))
    s = 0.05
    params = {}
    names = ["W1l", "b1", "W1r", "W2l", "b2", "W2r", "W3l", "b3", "W3r"]
    shapes = [(D, D), (D,), (D, D), (D, D), (D,), (D, D), (D, D), (D,), (D, D)]
    for i, (n, sh) in enumerate(zip(names, shapes)):
        params[n] = jax.random.normal(ks[3 + i], sh, dtype=jnp.float32) * s
    return {"x": x, "edge_index": edge_index, "batch": batch, **params}


def reference(x, edge_index, batch, W1l, b1, W1r, W2l, b2, W2r, W3l, b3, W3r):
    src = edge_index[0]
    dst = edge_index[1]
    n = x.shape[0]
    h = jax.nn.relu(_sage_conv(x, src, dst, W1l, b1, W1r, n))
    # dropout is identity in eval mode
    h = jax.nn.relu(_sage_conv(h, src, dst, W2l, b2, W2r, n))
    h = jax.nn.relu(_sage_conv(h, src, dst, W3l, b3, W3r, n))
    # global mean pool over batch segments
    summed = jax.ops.segment_sum(h, batch, num_segments=N_GRAPHS)
    cnt = jax.ops.segment_sum(jnp.ones((n,), h.dtype), batch, num_segments=N_GRAPHS)
    return summed / jnp.clip(cnt, 1.0, None)[:, None]

if __name__ == "__main__":
    import jax
    _d = setup_inputs()
    print(jax.jit(kernel)(*tuple(_d.values())))

</pallas_src>

<mosaic_0001>
#map = affine_map<(d0, d1) -> (0, 0)>
#map1 = affine_map<(d0, d1) -> (0, 0, 0)>
#map2 = affine_map<(d0, d1) -> (0)>
module attributes {stable_mosaic.version = 14 : i64} {
  func.func @body(%arg0: i32, %arg1: i32, %arg2: memref<10240x128xf32, #tpu.memory_space<hbm>>, %arg3: memref<32x80x128xi32, #tpu.memory_space<hbm>>, %arg4: memref<32x80x128xi32, #tpu.memory_space<hbm>>, %arg5: memref<640x128xf32, #tpu.memory_space<hbm>>, %arg6: memref<640xf32, #tpu.memory_space<hbm>>, %arg7: memref<20480x128xf32, #tpu.memory_space<hbm>>, %arg8: memref<20480xf32, #tpu.memory_space<hbm>>, %arg9: memref<80x128xi32, #tpu.memory_space<vmem>>, %arg10: memref<80x128xi32, #tpu.memory_space<vmem>>, %arg11: memref<128x128xf32, #tpu.memory_space<vmem>>, %arg12: memref<10240x128xf32, #tpu.memory_space<vmem_shared>>, %arg13: memref<!tpu.dma_semaphore, #tpu.memory_space<semaphore_mem>>, %arg14: memref<128xf32, #tpu.memory_space<vmem>>, %arg15: memref<10240xf32, #tpu.memory_space<vmem_shared>>) attributes {dimension_semantics = [#tpu.dimension_semantics<core_parallel>, #tpu.dimension_semantics<subcore_parallel>], iteration_bounds = array<i64: 2, 16>, scalar_prefetch = 0 : i64, scratch_operands = 7 : i64, tpu.core_type = #tpu.core_type<sc_vector_subcore>, window_params = [{transform_indices = #map}, {transform_indices = #map1}, {transform_indices = #map1}, {transform_indices = #map}, {transform_indices = #map2}, {transform_indices = #map}, {transform_indices = #map2}]} {
    %mul3A = arith.constant 2 : i32
    %mul3A_0 = arith.muli %arg1, %mul3A : i32
    %add3A = arith.addi %mul3A_0, %arg0 : i32
    %mul3A_1 = arith.constant 640 : i32
    %mul3A_2 = arith.muli %arg1, %mul3A_1 : i32
    "tpu.region"() ({
      %run_scoped3A = tpu.sem_alloc : memref<!tpu.dma_semaphore, #tpu.memory_space<semaphore_mem>>
      %dma_start3A = arith.constant 0 : i32
      %dma_start3A_71 = tpu.memref_slice %arg12[%mul3A_2, %dma_start3A] : memref<10240x128xf32, #tpu.memory_space<vmem_shared>> -> memref<640x128xf32, #tpu.memory_space<vmem_shared>>
      tpu.enqueue_dma source(%arg5 : memref<640x128xf32, #tpu.memory_space<hbm>>) target(%dma_start3A_71 : memref<640x128xf32, #tpu.memory_space<vmem_shared>>) target_semaphore(%run_scoped3A : memref<!tpu.dma_semaphore, #tpu.memory_space<semaphore_mem>>)
      %dma_wait3A = arith.constant 0 : i32
      %dma_wait3A_72 = tpu.memref_slice %arg12[%mul3A_2, %dma_wait3A] : memref<10240x128xf32, #tpu.memory_space<vmem_shared>> -> memref<640x128xf32, #tpu.memory_space<vmem_shared>>
      tpu.wait_dma2 semaphore(%run_scoped3A : memref<!tpu.dma_semaphore, #tpu.memory_space<semaphore_mem>>) src(%arg5 : memref<640x128xf32, #tpu.memory_space<hbm>>) dst(%dma_wait3A_72 : memref<640x128xf32, #tpu.memory_space<vmem_shared>>)
      tpu.yield
    }) : () -> ()
    "tpu.region"() ({
      %run_scoped3A = tpu.sem_alloc : memref<!tpu.dma_semaphore, #tpu.memory_space<semaphore_mem>>
      %dma_start3A = arith.constant 0 : i32
      %dma_start3A_71 = arith.constant 0 : i32
      %dma_start3A_72 = tpu.memref_slice %arg3[%add3A, %dma_start3A, %dma_start3A_71] : memref<32x80x128xi32, #tpu.memory_space<hbm>> -> memref<1x80x128xi32, #tpu.memory_space<hbm>>
      %dma_start3A_73 = tpu.memref_squeeze %dma_start3A_72 : memref<1x80x128xi32, #tpu.memory_space<hbm>> -> memref<80x128xi32, #tpu.memory_space<hbm>>
      %dma_start3A_74 = arith.constant 0 : i32
      %dma_start3A_75 = arith.constant 0 : i32
      %dma_start3A_76 = tpu.memref_slice %arg3[%add3A, %dma_start3A_74, %dma_start3A_75] : memref<32x80x128xi32, #tpu.memory_space<hbm>> -> memref<1x80x128xi32, #tpu.memory_space<hbm>>
      %dma_start3A_77 = tpu.memref_squeeze %dma_start3A_76 : memref<1x80x128xi32, #tpu.memory_space<hbm>> -> memref<80x128xi32, #tpu.memory_space<hbm>>
      tpu.enqueue_dma source(%dma_start3A_77 : memref<80x128xi32, #tpu.memory_space<hbm>>) target(%arg9 : memref<80x128xi32, #tpu.memory_space<vmem>>) target_semaphore(%run_scoped3A : memref<!tpu.dma_semaphore, #tpu.memory_space<semaphore_mem>>)
      %dma_wait3A = arith.constant 0 : i32
      %dma_wait3A_78 = arith.constant 0 : i32
      %dma_wait3A_79 = tpu.memref_slice %arg3[%add3A, %dma_wait3A, %dma_wait3A_78] : memref<32x80x128xi32, #tpu.memory_space<hbm>> -> memref<1x80x128xi32, #tpu.memory_space<hbm>>
      %dma_wait3A_80 = tpu.memref_squeeze %dma_wait3A_79 : memref<1x80x128xi32, #tpu.memory_space<hbm>> -> memref<80x128xi32, #tpu.memory_space<hbm>>
      %dma_wait3A_81 = arith.constant 0 : i32
      %dma_wait3A_82 = arith.constant 0 : i32
      %dma_wait3A_83 = tpu.memref_slice %arg3[%add3A, %dma_wait3A_81, %dma_wait3A_82] : memref<32x80x128xi32, #tpu.memory_space<hbm>> -> memref<1x80x128xi32, #tpu.memory_space<hbm>>
      %dma_wait3A_84 = tpu.memref_squeeze %dma_wait3A_83 : memref<1x80x128xi32, #tpu.memory_space<hbm>> -> memref<80x128xi32, #tpu.memory_space<hbm>>
      tpu.wait_dma2 semaphore(%run_scoped3A : memref<!tpu.dma_semaphore, #tpu.memory_space<semaphore_mem>>) src(%dma_wait3A_84 : memref<80x128xi32, #tpu.memory_space<hbm>>) dst(%arg9 : memref<80x128xi32, #tpu.memory_space<vmem>>)
      tpu.yield
    }) : () -> ()
    "tpu.region"() ({
      %run_scoped3A = tpu.sem_alloc : memref<!tpu.dma_semaphore, #tpu.memory_space<semaphore_mem>>
      %dma_start3A = arith.constant 0 : i32
      %dma_start3A_71 = arith.constant 0 : i32
      %dma_start3A_72 = tpu.memref_slice %arg4[%add3A, %dma_start3A, %dma_start3A_71] : memref<32x80x128xi32, #tpu.memory_space<hbm>> -> memref<1x80x128xi32, #tpu.memory_space<hbm>>
      %dma_start3A_73 = tpu.memref_squeeze %dma_start3A_72 : memref<1x80x128xi32, #tpu.memory_space<hbm>> -> memref<80x128xi32, #tpu.memory_space<hbm>>
      %dma_start3A_74 = arith.constant 0 : i32
      %dma_start3A_75 = arith.constant 0 : i32
      %dma_start3A_76 = tpu.memref_slice %arg4[%add3A, %dma_start3A_74, %dma_start3A_75] : memref<32x80x128xi32, #tpu.memory_space<hbm>> -> memref<1x80x128xi32, #tpu.memory_space<hbm>>
      %dma_start3A_77 = tpu.memref_squeeze %dma_start3A_76 : memref<1x80x128xi32, #tpu.memory_space<hbm>> -> memref<80x128xi32, #tpu.memory_space<hbm>>
      tpu.enqueue_dma source(%dma_start3A_77 : memref<80x128xi32, #tpu.memory_space<hbm>>) target(%arg10 : memref<80x128xi32, #tpu.memory_space<vmem>>) target_semaphore(%run_scoped3A : memref<!tpu.dma_semaphore, #tpu.memory_space<semaphore_mem>>)
      %dma_wait3A = arith.constant 0 : i32
      %dma_wait3A_78 = arith.constant 0 : i32
      %dma_wait3A_79 = tpu.memref_slice %arg4[%add3A, %dma_wait3A, %dma_wait3A_78] : memref<32x80x128xi32, #tpu.memory_space<hbm>> -> memref<1x80x128xi32, #tpu.memory_space<hbm>>
      %dma_wait3A_80 = tpu.memref_squeeze %dma_wait3A_79 : memref<1x80x128xi32, #tpu.memory_space<hbm>> -> memref<80x128xi32, #tpu.memory_space<hbm>>
      %dma_wait3A_81 = arith.constant 0 : i32
      %dma_wait3A_82 = arith.constant 0 : i32
      %dma_wait3A_83 = tpu.memref_slice %arg4[%add3A, %dma_wait3A_81, %dma_wait3A_82] : memref<32x80x128xi32, #tpu.memory_space<hbm>> -> memref<1x80x128xi32, #tpu.memory_space<hbm>>
      %dma_wait3A_84 = tpu.memref_squeeze %dma_wait3A_83 : memref<1x80x128xi32, #tpu.memory_space<hbm>> -> memref<80x128xi32, #tpu.memory_space<hbm>>
      tpu.wait_dma2 semaphore(%run_scoped3A : memref<!tpu.dma_semaphore, #tpu.memory_space<semaphore_mem>>) src(%dma_wait3A_84 : memref<80x128xi32, #tpu.memory_space<hbm>>) dst(%arg10 : memref<80x128xi32, #tpu.memory_space<vmem>>)
      tpu.yield
    }) : () -> ()
    %mul3A_3 = arith.constant 640 : i32
    %mul3A_4 = arith.muli %arg1, %mul3A_3 : i32
    "tpu.region"() ({
      %run_scoped3A = tpu.sem_alloc : memref<!tpu.dma_semaphore, #tpu.memory_space<semaphore_mem>>
      %dma_start3A = tpu.memref_slice %arg15[%mul3A_4] : memref<10240xf32, #tpu.memory_space<vmem_shared>> -> memref<640xf32, #tpu.memory_space<vmem_shared>>
      tpu.enqueue_dma source(%arg6 : memref<640xf32, #tpu.memory_space<hbm>>) target(%dma_start3A : memref<640xf32, #tpu.memory_space<vmem_shared>>) target_semaphore(%run_scoped3A : memref<!tpu.dma_semaphore, #tpu.memory_space<semaphore_mem>>)
      %dma_wait3A = tpu.memref_slice %arg15[%mul3A_4] : memref<10240xf32, #tpu.memory_space<vmem_shared>> -> memref<640xf32, #tpu.memory_space<vmem_shared>>
      tpu.wait_dma2 semaphore(%run_scoped3A : memref<!tpu.dma_semaphore, #tpu.memory_space<semaphore_mem>>) src(%arg6 : memref<640xf32, #tpu.memory_space<hbm>>) dst(%dma_wait3A : memref<640xf32, #tpu.memory_space<vmem_shared>>)
      tpu.yield
    }) : () -> ()
    %broadcast_in_dim3A = arith.constant 1.000000e+00 : f32
    %broadcast_in_dim3A_5 = vector.broadcast %broadcast_in_dim3A : f32 to vector<16xf32>
    %swap3A = arith.constant 0 : index
    %swap3A_6 = tpu.vector_load %arg14[%swap3A] {strides = array<i32>} : memref<128xf32, #tpu.memory_space<vmem>>, vector<16xf32>,
    %swap3A_7 = vector.shape_cast %swap3A_6 : vector<16xf32> to vector<16xf32>
    %swap3A_8 = vector.shape_cast %broadcast_in_dim3A_5 : vector<16xf32> to vector<16xf32>
    tpu.vector_store %arg14[%swap3A], %swap3A_8 {strides = array<i32>} : memref<128xf32, #tpu.memory_space<vmem>>, vector<16xf32>,
    %broadcast_in_dim3A_9 = arith.constant 1.000000e+00 : f32
    %broadcast_in_dim3A_10 = vector.broadcast %broadcast_in_dim3A_9 : f32 to vector<16xf32>
    %swap3A_11 = arith.constant 16 : index
    %swap3A_12 = tpu.vector_load %arg14[%swap3A_11] {strides = array<i32>} : memref<128xf32, #tpu.memory_space<vmem>>, vector<16xf32>,
    %swap3A_13 = vector.shape_cast %swap3A_12 : vector<16xf32> to vector<16xf32>
    %swap3A_14 = vector.shape_cast %broadcast_in_dim3A_10 : vector<16xf32> to vector<16xf32>
    tpu.vector_store %arg14[%swap3A_11], %swap3A_14 {strides = array<i32>} : memref<128xf32, #tpu.memory_space<vmem>>, vector<16xf32>,
    %broadcast_in_dim3A_15 = arith.constant 1.000000e+00 : f32
    %broadcast_in_dim3A_16 = vector.broadcast %broadcast_in_dim3A_15 : f32 to vector<16xf32>
    %swap3A_17 = arith.constant 32 : index
    %swap3A_18 = tpu.vector_load %arg14[%swap3A_17] {strides = array<i32>} : memref<128xf32, #tpu.memory_space<vmem>>, vector<16xf32>,
    %swap3A_19 = vector.shape_cast %swap3A_18 : vector<16xf32> to vector<16xf32>
    %swap3A_20 = vector.shape_cast %broadcast_in_dim3A_16 : vector<16xf32> to vector<16xf32>
    tpu.vector_store %arg14[%swap3A_17], %swap3A_20 {strides = array<i32>} : memref<128xf32, #tpu.memory_space<vmem>>, vector<16xf32>,
    %broadcast_in_dim3A_21 = arith.constant 1.000000e+00 : f32
    %broadcast_in_dim3A_22 = vector.broadcast %broadcast_in_dim3A_21 : f32 to vector<16xf32>
    %swap3A_23 = arith.constant 48 : index
    %swap3A_24 = tpu.vector_load %arg14[%swap3A_23] {strides = array<i32>} : memref<128xf32, #tpu.memory_space<vmem>>, vector<16xf32>,
    %swap3A_25 = vector.shape_cast %swap3A_24 : vector<16xf32> to vector<16xf32>
    %swap3A_26 = vector.shape_cast %broadcast_in_dim3A_22 : vector<16xf32> to vector<16xf32>
    tpu.vector_store %arg14[%swap3A_23], %swap3A_26 {strides = array<i32>} : memref<128xf32, #tpu.memory_space<vmem>>, vector<16xf32>,
    %broadcast_in_dim3A_27 = arith.constant 1.000000e+00 : f32
    %broadcast_in_dim3A_28 = vector.broadcast %broadcast_in_dim3A_27 : f32 to vector<16xf32>
    %swap3A_29 = arith.constant 64 : index
    %swap3A_30 = tpu.vector_load %arg14[%swap3A_29] {strides = array<i32>} : memref<128xf32, #tpu.memory_space<vmem>>, vector<16xf32>,
    %swap3A_31 = vector.shape_cast %swap3A_30 : vector<16xf32> to vector<16xf32>
    %swap3A_32 = vector.shape_cast %broadcast_in_dim3A_28 : vector<16xf32> to vector<16xf32>
    tpu.vector_store %arg14[%swap3A_29], %swap3A_32 {strides = array<i32>} : memref<128xf32, #tpu.memory_space<vmem>>, vector<16xf32>,
    %broadcast_in_dim3A_33 = arith.constant 1.000000e+00 : f32
    %broadcast_in_dim3A_34 = vector.broadcast %broadcast_in_dim3A_33 : f32 to vector<16xf32>
    %swap3A_35 = arith.constant 80 : index
    %swap3A_36 = tpu.vector_load %arg14[%swap3A_35] {strides = array<i32>} : memref<128xf32, #tpu.memory_space<vmem>>, vector<16xf32>,
    %swap3A_37 = vector.shape_cast %swap3A_36 : vector<16xf32> to vector<16xf32>
    %swap3A_38 = vector.shape_cast %broadcast_in_dim3A_34 : vector<16xf32> to vector<16xf32>
    tpu.vector_store %arg14[%swap3A_35], %swap3A_38 {strides = array<i32>} : memref<128xf32, #tpu.memory_space<vmem>>, vector<16xf32>,
    %broadcast_in_dim3A_39 = arith.constant 1.000000e+00 : f32
    %broadcast_in_dim3A_40 = vector.broadcast %broadcast_in_dim3A_39 : f32 to vector<16xf32>
    %swap3A_41 = arith.constant 96 : index
    %swap3A_42 = tpu.vector_load %arg14[%swap3A_41] {strides = array<i32>} : memref<128xf32, #tpu.memory_space<vmem>>, vector<16xf32>,
    %swap3A_43 = vector.shape_cast %swap3A_42 : vector<16xf32> to vector<16xf32>
    %swap3A_44 = vector.shape_cast %broadcast_in_dim3A_40 : vector<16xf32> to vector<16xf32>
    tpu.vector_store %arg14[%swap3A_41], %swap3A_44 {strides = array<i32>} : memref<128xf32, #tpu.memory_space<vmem>>, vector<16xf32>,
    %broadcast_in_dim3A_45 = arith.constant 1.000000e+00 : f32
    %broadcast_in_dim3A_46 = vector.broadcast %broadcast_in_dim3A_45 : f32 to vector<16xf32>
    %swap3A_47 = arith.constant 112 : index
    %swap3A_48 = tpu.vector_load %arg14[%swap3A_47] {strides = array<i32>} : memref<128xf32, #tpu.memory_space<vmem>>, vector<16xf32>,
    %swap3A_49 = vector.shape_cast %swap3A_48 : vector<16xf32> to vector<16xf32>
    %swap3A_50 = vector.shape_cast %broadcast_in_dim3A_46 : vector<16xf32> to vector<16xf32>
    tpu.vector_store %arg14[%swap3A_47], %swap3A_50 {strides = array<i32>} : memref<128xf32, #tpu.memory_space<vmem>>, vector<16xf32>,
    %barrier3A = arith.constant 0 : index
    tpu.barrier barrier_id(%barrier3A)
    %scan3A = arith.constant 0 : i32
    %scan3A_51 = arith.constant 0 : i32
    %scan3A_52 = arith.constant 80 : i32
    %scan3A_53 = arith.addi %scan3A_51, %scan3A_52 : i32
    %scan3A_54 = arith.constant 1 : i32
    scf.for %scan3A_71 = %scan3A_51 to %scan3A_53 step %scan3A_54  : i32 {
      %dma_start3A = arith.constant 0 : i32
      %dma_start3A_72 = tpu.memref_slice %arg9[%scan3A_71, %dma_start3A] : memref<80x128xi32, #tpu.memory_space<vmem>> -> memref<1x128xi32, #tpu.memory_space<vmem>>
      %dma_start3A_73 = tpu.memref_squeeze %dma_start3A_72 : memref<1x128xi32, #tpu.memory_space<vmem>> -> memref<128xi32, #tpu.memory_space<vmem>>
      %dma_start3A_74 = arith.constant 0 : i32
      %dma_start3A_75 = arith.constant 0 : i32
      %dma_start3A_76 = tpu.memref_slice %arg2[%dma_start3A_74, %dma_start3A_75] : memref<10240x128xf32, #tpu.memory_space<hbm>> -> memref<10240x128xf32, #tpu.memory_space<hbm>>
      tpu.enqueue_indirect_dma source(%dma_start3A_76 : memref<10240x128xf32, #tpu.memory_space<hbm>>) target(%arg11 : memref<128x128xf32, #tpu.memory_space<vmem>>) offsets(%dma_start3A_73 : memref<128xi32, #tpu.memory_space<vmem>>) semaphore(%arg13 : memref<!tpu.dma_semaphore, #tpu.memory_space<semaphore_mem>>)
      %dma_wait3A = arith.constant 0 : i32
      %dma_wait3A_77 = tpu.memref_slice %arg9[%scan3A_71, %dma_wait3A] : memref<80x128xi32, #tpu.memory_space<vmem>> -> memref<1x128xi32, #tpu.memory_space<vmem>>
      %dma_wait3A_78 = tpu.memref_squeeze %dma_wait3A_77 : memref<1x128xi32, #tpu.memory_space<vmem>> -> memref<128xi32, #tpu.memory_space<vmem>>
      %dma_wait3A_79 = arith.constant 0 : i32
      %dma_wait3A_80 = arith.constant 0 : i32
      %dma_wait3A_81 = tpu.memref_slice %arg2[%dma_wait3A_79, %dma_wait3A_80] : memref<10240x128xf32, #tpu.memory_space<hbm>> -> memref<10240x128xf32, #tpu.memory_space<hbm>>
      tpu.wait_indirect_dma semaphore(%arg13 : memref<!tpu.dma_semaphore, #tpu.memory_space<semaphore_mem>>) src(%dma_wait3A_81 : memref<10240x128xf32, #tpu.memory_space<hbm>>) dst(%arg11 : memref<128x128xf32, #tpu.memory_space<vmem>>)
      "tpu.region"() ({
        %run_scoped3A = tpu.sem_alloc : memref<!tpu.dma_semaphore, #tpu.memory_space<semaphore_mem>>
        %dma_start3A_82 = arith.constant 0 : i32
        %dma_start3A_83 = tpu.memref_slice %arg10[%scan3A_71, %dma_start3A_82] : memref<80x128xi32, #tpu.memory_space<vmem>> -> memref<1x128xi32, #tpu.memory_space<vmem>>
        %dma_start3A_84 = tpu.memref_squeeze %dma_start3A_83 : memref<1x128xi32, #tpu.memory_space<vmem>> -> memref<128xi32, #tpu.memory_space<vmem>>
        %dma_start3A_85 = arith.constant 0 : i32
        %dma_start3A_86 = arith.constant 0 : i32
        %dma_start3A_87 = tpu.memref_slice %arg12[%dma_start3A_85, %dma_start3A_86] : memref<10240x128xf32, #tpu.memory_space<vmem_shared>> -> memref<10240x128xf32, #tpu.memory_space<vmem_shared>>
        tpu.enqueue_indirect_dma source(%arg11 : memref<128x128xf32, #tpu.memory_space<vmem>>) target(%dma_start3A_87 : memref<10240x128xf32, #tpu.memory_space<vmem_shared>>) offsets(%dma_start3A_84 : memref<128xi32, #tpu.memory_space<vmem>>) semaphore(%run_scoped3A : memref<!tpu.dma_semaphore, #tpu.memory_space<semaphore_mem>>) {add = true}
        %dma_wait3A_88 = arith.constant 0 : i32
        %dma_wait3A_89 = tpu.memref_slice %arg10[%scan3A_71, %dma_wait3A_88] : memref<80x128xi32, #tpu.memory_space<vmem>> -> memref<1x128xi32, #tpu.memory_space<vmem>>
        %dma_wait3A_90 = tpu.memref_squeeze %dma_wait3A_89 : memref<1x128xi32, #tpu.memory_space<vmem>> -> memref<128xi32, #tpu.memory_space<vmem>>
        %dma_wait3A_91 = arith.constant 0 : i32
        %dma_wait3A_92 = arith.constant 0 : i32
        %dma_wait3A_93 = tpu.memref_slice %arg12[%dma_wait3A_91, %dma_wait3A_92] : memref<10240x128xf32, #tpu.memory_space<vmem_shared>> -> memref<10240x128xf32, #tpu.memory_space<vmem_shared>>
        tpu.wait_indirect_dma semaphore(%run_scoped3A : memref<!tpu.dma_semaphore, #tpu.memory_space<semaphore_mem>>) src(%arg11 : memref<128x128xf32, #tpu.memory_space<vmem>>) dst(%dma_wait3A_93 : memref<10240x128xf32, #tpu.memory_space<vmem_shared>>)
        tpu.yield
      }) : () -> ()
      "tpu.region"() ({
        %run_scoped3A = tpu.sem_alloc : memref<!tpu.dma_semaphore, #tpu.memory_space<semaphore_mem>>
        %dma_start3A_82 = arith.constant 0 : i32
        %dma_start3A_83 = tpu.memref_slice %arg10[%scan3A_71, %dma_start3A_82] : memref<80x128xi32, #tpu.memory_space<vmem>> -> memref<1x128xi32, #tpu.memory_space<vmem>>
        %dma_start3A_84 = tpu.memref_squeeze %dma_start3A_83 : memref<1x128xi32, #tpu.memory_space<vmem>> -> memref<128xi32, #tpu.memory_space<vmem>>
        %dma_start3A_85 = arith.constant 0 : i32
        %dma_start3A_86 = tpu.memref_slice %arg15[%dma_start3A_85] : memref<10240xf32, #tpu.memory_space<vmem_shared>> -> memref<10240xf32, #tpu.memory_space<vmem_shared>>
        tpu.enqueue_indirect_dma source(%arg14 : memref<128xf32, #tpu.memory_space<vmem>>) target(%dma_start3A_86 : memref<10240xf32, #tpu.memory_space<vmem_shared>>) offsets(%dma_start3A_84 : memref<128xi32, #tpu.memory_space<vmem>>) semaphore(%run_scoped3A : memref<!tpu.dma_semaphore, #tpu.memory_space<semaphore_mem>>) {add = true}
        %dma_wait3A_87 = arith.constant 0 : i32
        %dma_wait3A_88 = tpu.memref_slice %arg10[%scan3A_71, %dma_wait3A_87] : memref<80x128xi32, #tpu.memory_space<vmem>> -> memref<1x128xi32, #tpu.memory_space<vmem>>
        %dma_wait3A_89 = tpu.memref_squeeze %dma_wait3A_88 : memref<1x128xi32, #tpu.memory_space<vmem>> -> memref<128xi32, #tpu.memory_space<vmem>>
        %dma_wait3A_90 = arith.constant 0 : i32
        %dma_wait3A_91 = tpu.memref_slice %arg15[%dma_wait3A_90] : memref<10240xf32, #tpu.memory_space<vmem_shared>> -> memref<10240xf32, #tpu.memory_space<vmem_shared>>
        tpu.wait_indirect_dma semaphore(%run_scoped3A : memref<!tpu.dma_semaphore, #tpu.memory_space<semaphore_mem>>) src(%arg14 : memref<128xf32, #tpu.memory_space<vmem>>) dst(%dma_wait3A_91 : memref<10240xf32, #tpu.memory_space<vmem_shared>>)
        tpu.yield
      }) : () -> ()
    }
    %scan3A_55 = arith.constant 80 : i32
    %barrier3A_56 = arith.constant 0 : index
    tpu.barrier barrier_id(%barrier3A_56)
    %mul3A_57 = arith.constant 640 : i32
    %mul3A_58 = arith.muli %arg1, %mul3A_57 : i32
    %mul3A_59 = arith.constant 10240 : i32
    %mul3A_60 = arith.muli %arg0, %mul3A_59 : i32
    %mul3A_61 = arith.constant 640 : i32
    %mul3A_62 = arith.muli %arg1, %mul3A_61 : i32
    %add3A_63 = arith.addi %mul3A_60, %mul3A_62 : i32
    "tpu.region"() ({
      %run_scoped3A = tpu.sem_alloc : memref<!tpu.dma_semaphore, #tpu.memory_space<semaphore_mem>>
      %dma_start3A = arith.constant 0 : i32
      %dma_start3A_71 = tpu.memref_slice %arg7[%add3A_63, %dma_start3A] : memref<20480x128xf32, #tpu.memory_space<hbm>> -> memref<640x128xf32, #tpu.memory_space<hbm>>
      %dma_start3A_72 = arith.constant 0 : i32
      %dma_start3A_73 = tpu.memref_slice %arg12[%mul3A_58, %dma_start3A_72] : memref<10240x128xf32, #tpu.memory_space<vmem_shared>> -> memref<640x128xf32, #tpu.memory_space<vmem_shared>>
      tpu.enqueue_dma source(%dma_start3A_73 : memref<640x128xf32, #tpu.memory_space<vmem_shared>>) target(%dma_start3A_71 : memref<640x128xf32, #tpu.memory_space<hbm>>) target_semaphore(%run_scoped3A : memref<!tpu.dma_semaphore, #tpu.memory_space<semaphore_mem>>)
      %dma_wait3A = arith.constant 0 : i32
      %dma_wait3A_74 = tpu.memref_slice %arg7[%add3A_63, %dma_wait3A] : memref<20480x128xf32, #tpu.memory_space<hbm>> -> memref<640x128xf32, #tpu.memory_space<hbm>>
      %dma_wait3A_75 = arith.constant 0 : i32
      %dma_wait3A_76 = tpu.memref_slice %arg12[%mul3A_58, %dma_wait3A_75] : memref<10240x128xf32, #tpu.memory_space<vmem_shared>> -> memref<640x128xf32, #tpu.memory_space<vmem_shared>>
      tpu.wait_dma2 semaphore(%run_scoped3A : memref<!tpu.dma_semaphore, #tpu.memory_space<semaphore_mem>>) src(%dma_wait3A_76 : memref<640x128xf32, #tpu.memory_space<vmem_shared>>) dst(%dma_wait3A_74 : memref<640x128xf32, #tpu.memory_space<hbm>>)
      tpu.yield
    }) : () -> ()
    %mul3A_64 = arith.constant 640 : i32
    %mul3A_65 = arith.muli %arg1, %mul3A_64 : i32
    %mul3A_66 = arith.constant 10240 : i32
    %mul3A_67 = arith.muli %arg0, %mul3A_66 : i32
    %mul3A_68 = arith.constant 640 : i32
    %mul3A_69 = arith.muli %arg1, %mul3A_68 : i32
    %add3A_70 = arith.addi %mul3A_67, %mul3A_69 : i32
    "tpu.region"() ({
      %run_scoped3A = tpu.sem_alloc : memref<!tpu.dma_semaphore, #tpu.memory_space<semaphore_mem>>
      %dma_start3A = tpu.memref_slice %arg8[%add3A_70] : memref<20480xf32, #tpu.memory_space<hbm>> -> memref<640xf32, #tpu.memory_space<hbm>>
      %dma_start3A_71 = tpu.memref_slice %arg15[%mul3A_65] : memref<10240xf32, #tpu.memory_space<vmem_shared>> -> memref<640xf32, #tpu.memory_space<vmem_shared>>
      tpu.enqueue_dma source(%dma_start3A_71 : memref<640xf32, #tpu.memory_space<vmem_shared>>) target(%dma_start3A : memref<640xf32, #tpu.memory_space<hbm>>) target_semaphore(%run_scoped3A : memref<!tpu.dma_semaphore, #tpu.memory_space<semaphore_mem>>)
      %dma_wait3A = tpu.memref_slice %arg8[%add3A_70] : memref<20480xf32, #tpu.memory_space<hbm>> -> memref<640xf32, #tpu.memory_space<hbm>>
      %dma_wait3A_72 = tpu.memref_slice %arg15[%mul3A_65] : memref<10240xf32, #tpu.memory_space<vmem_shared>> -> memref<640xf32, #tpu.memory_space<vmem_shared>>
      tpu.wait_dma2 semaphore(%run_scoped3A : memref<!tpu.dma_semaphore, #tpu.memory_space<semaphore_mem>>) src(%dma_wait3A_72 : memref<640xf32, #tpu.memory_space<vmem_shared>>) dst(%dma_wait3A : memref<640xf32, #tpu.memory_space<hbm>>)
      tpu.yield
    }) : () -> ()
    return
  }
}

#map = affine_map<(d0, d1) -> (0, 0)>
#map1 = affine_map<(d0, d1) -> (0, 0, 0)>
module attributes {stable_mosaic.version = 14 : i64} {
  func.func @body(%arg0: i32, %arg1: i32, %arg2: memref<10240x128xf32, #tpu.memory_space<hbm>>, %arg3: memref<32x80x128xi32, #tpu.memory_space<hbm>>, %arg4: memref<32x80x128xi32, #tpu.memory_space<hbm>>, %arg5: memref<640x128xf32, #tpu.memory_space<hbm>>, %arg6: memref<20480x128xf32, #tpu.memory_space<hbm>>, %arg7: memref<80x128xi32, #tpu.memory_space<vmem>>, %arg8: memref<80x128xi32, #tpu.memory_space<vmem>>, %arg9: memref<128x128xf32, #tpu.memory_space<vmem>>, %arg10: memref<10240x128xf32, #tpu.memory_space<vmem_shared>>, %arg11: memref<!tpu.dma_semaphore, #tpu.memory_space<semaphore_mem>>) attributes {dimension_semantics = [#tpu.dimension_semantics<core_parallel>, #tpu.dimension_semantics<subcore_parallel>], iteration_bounds = array<i64: 2, 16>, scalar_prefetch = 0 : i64, scratch_operands = 5 : i64, tpu.core_type = #tpu.core_type<sc_vector_subcore>, window_params = [{transform_indices = #map}, {transform_indices = #map1}, {transform_indices = #map1}, {transform_indices = #map}, {transform_indices = #map}]} {
    %mul3A = arith.constant 2 : i32
    %mul3A_0 = arith.muli %arg1, %mul3A : i32
    %add3A = arith.addi %mul3A_0, %arg0 : i32
    %mul3A_1 = arith.constant 640 : i32
    %mul3A_2 = arith.muli %arg1, %mul3A_1 : i32
    "tpu.region"() ({
      %run_scoped3A = tpu.sem_alloc : memref<!tpu.dma_semaphore, #tpu.memory_space<semaphore_mem>>
      %dma_start3A = arith.constant 0 : i32
      %dma_start3A_16 = tpu.memref_slice %arg10[%mul3A_2, %dma_start3A] : memref<10240x128xf32, #tpu.memory_space<vmem_shared>> -> memref<640x128xf32, #tpu.memory_space<vmem_shared>>
      tpu.enqueue_dma source(%arg5 : memref<640x128xf32, #tpu.memory_space<hbm>>) target(%dma_start3A_16 : memref<640x128xf32, #tpu.memory_space<vmem_shared>>) target_semaphore(%run_scoped3A : memref<!tpu.dma_semaphore, #tpu.memory_space<semaphore_mem>>)
      %dma_wait3A = arith.constant 0 : i32
      %dma_wait3A_17 = tpu.memref_slice %arg10[%mul3A_2, %dma_wait3A] : memref<10240x128xf32, #tpu.memory_space<vmem_shared>> -> memref<640x128xf32, #tpu.memory_space<vmem_shared>>
      tpu.wait_dma2 semaphore(%run_scoped3A : memref<!tpu.dma_semaphore, #tpu.memory_space<semaphore_mem>>) src(%arg5 : memref<640x128xf32, #tpu.memory_space<hbm>>) dst(%dma_wait3A_17 : memref<640x128xf32, #tpu.memory_space<vmem_shared>>)
      tpu.yield
    }) : () -> ()
    "tpu.region"() ({
      %run_scoped3A = tpu.sem_alloc : memref<!tpu.dma_semaphore, #tpu.memory_space<semaphore_mem>>
      %dma_start3A = arith.constant 0 : i32
      %dma_start3A_16 = arith.constant 0 : i32
      %dma_start3A_17 = tpu.memref_slice %arg3[%add3A, %dma_start3A, %dma_start3A_16] : memref<32x80x128xi32, #tpu.memory_space<hbm>> -> memref<1x80x128xi32, #tpu.memory_space<hbm>>
      %dma_start3A_18 = tpu.memref_squeeze %dma_start3A_17 : memref<1x80x128xi32, #tpu.memory_space<hbm>> -> memref<80x128xi32, #tpu.memory_space<hbm>>
      %dma_start3A_19 = arith.constant 0 : i32
      %dma_start3A_20 = arith.constant 0 : i32
      %dma_start3A_21 = tpu.memref_slice %arg3[%add3A, %dma_start3A_19, %dma_start3A_20] : memref<32x80x128xi32, #tpu.memory_space<hbm>> -> memref<1x80x128xi32, #tpu.memory_space<hbm>>
      %dma_start3A_22 = tpu.memref_squeeze %dma_start3A_21 : memref<1x80x128xi32, #tpu.memory_space<hbm>> -> memref<80x128xi32, #tpu.memory_space<hbm>>
      tpu.enqueue_dma source(%dma_start3A_22 : memref<80x128xi32, #tpu.memory_space<hbm>>) target(%arg7 : memref<80x128xi32, #tpu.memory_space<vmem>>) target_semaphore(%run_scoped3A : memref<!tpu.dma_semaphore, #tpu.memory_space<semaphore_mem>>)
      %dma_wait3A = arith.constant 0 : i32
      %dma_wait3A_23 = arith.constant 0 : i32
      %dma_wait3A_24 = tpu.memref_slice %arg3[%add3A, %dma_wait3A, %dma_wait3A_23] : memref<32x80x128xi32, #tpu.memory_space<hbm>> -> memref<1x80x128xi32, #tpu.memory_space<hbm>>
      %dma_wait3A_25 = tpu.memref_squeeze %dma_wait3A_24 : memref<1x80x128xi32, #tpu.memory_space<hbm>> -> memref<80x128xi32, #tpu.memory_space<hbm>>
      %dma_wait3A_26 = arith.constant 0 : i32
      %dma_wait3A_27 = arith.constant 0 : i32
      %dma_wait3A_28 = tpu.memref_slice %arg3[%add3A, %dma_wait3A_26, %dma_wait3A_27] : memref<32x80x128xi32, #tpu.memory_space<hbm>> -> memref<1x80x128xi32, #tpu.memory_space<hbm>>
      %dma_wait3A_29 = tpu.memref_squeeze %dma_wait3A_28 : memref<1x80x128xi32, #tpu.memory_space<hbm>> -> memref<80x128xi32, #tpu.memory_space<hbm>>
      tpu.wait_dma2 semaphore(%run_scoped3A : memref<!tpu.dma_semaphore, #tpu.memory_space<semaphore_mem>>) src(%dma_wait3A_29 : memref<80x128xi32, #tpu.memory_space<hbm>>) dst(%arg7 : memref<80x128xi32, #tpu.memory_space<vmem>>)
      tpu.yield
    }) : () -> ()
    "tpu.region"() ({
      %run_scoped3A = tpu.sem_alloc : memref<!tpu.dma_semaphore, #tpu.memory_space<semaphore_mem>>
      %dma_start3A = arith.constant 0 : i32
      %dma_start3A_16 = arith.constant 0 : i32
      %dma_start3A_17 = tpu.memref_slice %arg4[%add3A, %dma_start3A, %dma_start3A_16] : memref<32x80x128xi32, #tpu.memory_space<hbm>> -> memref<1x80x128xi32, #tpu.memory_space<hbm>>
      %dma_start3A_18 = tpu.memref_squeeze %dma_start3A_17 : memref<1x80x128xi32, #tpu.memory_space<hbm>> -> memref<80x128xi32, #tpu.memory_space<hbm>>
      %dma_start3A_19 = arith.constant 0 : i32
      %dma_start3A_20 = arith.constant 0 : i32
      %dma_start3A_21 = tpu.memref_slice %arg4[%add3A, %dma_start3A_19, %dma_start3A_20] : memref<32x80x128xi32, #tpu.memory_space<hbm>> -> memref<1x80x128xi32, #tpu.memory_space<hbm>>
      %dma_start3A_22 = tpu.memref_squeeze %dma_start3A_21 : memref<1x80x128xi32, #tpu.memory_space<hbm>> -> memref<80x128xi32, #tpu.memory_space<hbm>>
      tpu.enqueue_dma source(%dma_start3A_22 : memref<80x128xi32, #tpu.memory_space<hbm>>) target(%arg8 : memref<80x128xi32, #tpu.memory_space<vmem>>) target_semaphore(%run_scoped3A : memref<!tpu.dma_semaphore, #tpu.memory_space<semaphore_mem>>)
      %dma_wait3A = arith.constant 0 : i32
      %dma_wait3A_23 = arith.constant 0 : i32
      %dma_wait3A_24 = tpu.memref_slice %arg4[%add3A, %dma_wait3A, %dma_wait3A_23] : memref<32x80x128xi32, #tpu.memory_space<hbm>> -> memref<1x80x128xi32, #tpu.memory_space<hbm>>
      %dma_wait3A_25 = tpu.memref_squeeze %dma_wait3A_24 : memref<1x80x128xi32, #tpu.memory_space<hbm>> -> memref<80x128xi32, #tpu.memory_space<hbm>>
      %dma_wait3A_26 = arith.constant 0 : i32
      %dma_wait3A_27 = arith.constant 0 : i32
      %dma_wait3A_28 = tpu.memref_slice %arg4[%add3A, %dma_wait3A_26, %dma_wait3A_27] : memref<32x80x128xi32, #tpu.memory_space<hbm>> -> memref<1x80x128xi32, #tpu.memory_space<hbm>>
      %dma_wait3A_29 = tpu.memref_squeeze %dma_wait3A_28 : memref<1x80x128xi32, #tpu.memory_space<hbm>> -> memref<80x128xi32, #tpu.memory_space<hbm>>
      tpu.wait_dma2 semaphore(%run_scoped3A : memref<!tpu.dma_semaphore, #tpu.memory_space<semaphore_mem>>) src(%dma_wait3A_29 : memref<80x128xi32, #tpu.memory_space<hbm>>) dst(%arg8 : memref<80x128xi32, #tpu.memory_space<vmem>>)
      tpu.yield
    }) : () -> ()
    %barrier3A = arith.constant 0 : index
    tpu.barrier barrier_id(%barrier3A)
    %scan3A = arith.constant 0 : i32
    %scan3A_3 = arith.constant 0 : i32
    %scan3A_4 = arith.constant 80 : i32
    %scan3A_5 = arith.addi %scan3A_3, %scan3A_4 : i32
    %scan3A_6 = arith.constant 1 : i32
    scf.for %scan3A_16 = %scan3A_3 to %scan3A_5 step %scan3A_6  : i32 {
      %dma_start3A = arith.constant 0 : i32
      %dma_start3A_17 = tpu.memref_slice %arg7[%scan3A_16, %dma_start3A] : memref<80x128xi32, #tpu.memory_space<vmem>> -> memref<1x128xi32, #tpu.memory_space<vmem>>
      %dma_start3A_18 = tpu.memref_squeeze %dma_start3A_17 : memref<1x128xi32, #tpu.memory_space<vmem>> -> memref<128xi32, #tpu.memory_space<vmem>>
      %dma_start3A_19 = arith.constant 0 : i32
      %dma_start3A_20 = arith.constant 0 : i32
      %dma_start3A_21 = tpu.memref_slice %arg2[%dma_start3A_19, %dma_start3A_20] : memref<10240x128xf32, #tpu.memory_space<hbm>> -> memref<10240x128xf32, #tpu.memory_space<hbm>>
      tpu.enqueue_indirect_dma source(%dma_start3A_21 : memref<10240x128xf32, #tpu.memory_space<hbm>>) target(%arg9 : memref<128x128xf32, #tpu.memory_space<vmem>>) offsets(%dma_start3A_18 : memref<128xi32, #tpu.memory_space<vmem>>) semaphore(%arg11 : memref<!tpu.dma_semaphore, #tpu.memory_space<semaphore_mem>>)
      %dma_wait3A = arith.constant 0 : i32
      %dma_wait3A_22 = tpu.memref_slice %arg7[%scan3A_16, %dma_wait3A] : memref<80x128xi32, #tpu.memory_space<vmem>> -> memref<1x128xi32, #tpu.memory_space<vmem>>
      %dma_wait3A_23 = tpu.memref_squeeze %dma_wait3A_22 : memref<1x128xi32, #tpu.memory_space<vmem>> -> memref<128xi32, #tpu.memory_space<vmem>>
      %dma_wait3A_24 = arith.constant 0 : i32
      %dma_wait3A_25 = arith.constant 0 : i32
      %dma_wait3A_26 = tpu.memref_slice %arg2[%dma_wait3A_24, %dma_wait3A_25] : memref<10240x128xf32, #tpu.memory_space<hbm>> -> memref<10240x128xf32, #tpu.memory_space<hbm>>
      tpu.wait_indirect_dma semaphore(%arg11 : memref<!tpu.dma_semaphore, #tpu.memory_space<semaphore_mem>>) src(%dma_wait3A_26 : memref<10240x128xf32, #tpu.memory_space<hbm>>) dst(%arg9 : memref<128x128xf32, #tpu.memory_space<vmem>>)
      "tpu.region"() ({
        %run_scoped3A = tpu.sem_alloc : memref<!tpu.dma_semaphore, #tpu.memory_space<semaphore_mem>>
        %dma_start3A_27 = arith.constant 0 : i32
        %dma_start3A_28 = tpu.memref_slice %arg8[%scan3A_16, %dma_start3A_27] : memref<80x128xi32, #tpu.memory_space<vmem>> -> memref<1x128xi32, #tpu.memory_space<vmem>>
        %dma_start3A_29 = tpu.memref_squeeze %dma_start3A_28 : memref<1x128xi32, #tpu.memory_space<vmem>> -> memref<128xi32, #tpu.memory_space<vmem>>
        %dma_start3A_30 = arith.constant 0 : i32
        %dma_start3A_31 = arith.constant 0 : i32
        %dma_start3A_32 = tpu.memref_slice %arg10[%dma_start3A_30, %dma_start3A_31] : memref<10240x128xf32, #tpu.memory_space<vmem_shared>> -> memref<10240x128xf32, #tpu.memory_space<vmem_shared>>
        tpu.enqueue_indirect_dma source(%arg9 : memref<128x128xf32, #tpu.memory_space<vmem>>) target(%dma_start3A_32 : memref<10240x128xf32, #tpu.memory_space<vmem_shared>>) offsets(%dma_start3A_29 : memref<128xi32, #tpu.memory_space<vmem>>) semaphore(%run_scoped3A : memref<!tpu.dma_semaphore, #tpu.memory_space<semaphore_mem>>) {add = true}
        %dma_wait3A_33 = arith.constant 0 : i32
        %dma_wait3A_34 = tpu.memref_slice %arg8[%scan3A_16, %dma_wait3A_33] : memref<80x128xi32, #tpu.memory_space<vmem>> -> memref<1x128xi32, #tpu.memory_space<vmem>>
        %dma_wait3A_35 = tpu.memref_squeeze %dma_wait3A_34 : memref<1x128xi32, #tpu.memory_space<vmem>> -> memref<128xi32, #tpu.memory_space<vmem>>
        %dma_wait3A_36 = arith.constant 0 : i32
        %dma_wait3A_37 = arith.constant 0 : i32
        %dma_wait3A_38 = tpu.memref_slice %arg10[%dma_wait3A_36, %dma_wait3A_37] : memref<10240x128xf32, #tpu.memory_space<vmem_shared>> -> memref<10240x128xf32, #tpu.memory_space<vmem_shared>>
        tpu.wait_indirect_dma semaphore(%run_scoped3A : memref<!tpu.dma_semaphore, #tpu.memory_space<semaphore_mem>>) src(%arg9 : memref<128x128xf32, #tpu.memory_space<vmem>>) dst(%dma_wait3A_38 : memref<10240x128xf32, #tpu.memory_space<vmem_shared>>)
        tpu.yield
      }) : () -> ()
    }
    %scan3A_7 = arith.constant 80 : i32
    %barrier3A_8 = arith.constant 0 : index
    tpu.barrier barrier_id(%barrier3A_8)
    %mul3A_9 = arith.constant 640 : i32
    %mul3A_10 = arith.muli %arg1, %mul3A_9 : i32
    %mul3A_11 = arith.constant 10240 : i32
    %mul3A_12 = arith.muli %arg0, %mul3A_11 : i32
    %mul3A_13 = arith.constant 640 : i32
    %mul3A_14 = arith.muli %arg1, %mul3A_13 : i32
    %add3A_15 = arith.addi %mul3A_12, %mul3A_14 : i32
    "tpu.region"() ({
      %run_scoped3A = tpu.sem_alloc : memref<!tpu.dma_semaphore, #tpu.memory_space<semaphore_mem>>
      %dma_start3A = arith.constant 0 : i32
      %dma_start3A_16 = tpu.memref_slice %arg6[%add3A_15, %dma_start3A] : memref<20480x128xf32, #tpu.memory_space<hbm>> -> memref<640x128xf32, #tpu.memory_space<hbm>>
      %dma_start3A_17 = arith.constant 0 : i32
      %dma_start3A_18 = tpu.memref_slice %arg10[%mul3A_10, %dma_start3A_17] : memref<10240x128xf32, #tpu.memory_space<vmem_shared>> -> memref<640x128xf32, #tpu.memory_space<vmem_shared>>
      tpu.enqueue_dma source(%dma_start3A_18 : memref<640x128xf32, #tpu.memory_space<vmem_shared>>) target(%dma_start3A_16 : memref<640x128xf32, #tpu.memory_space<hbm>>) target_semaphore(%run_scoped3A : memref<!tpu.dma_semaphore, #tpu.memory_space<semaphore_mem>>)
      %dma_wait3A = arith.constant 0 : i32
      %dma_wait3A_19 = tpu.memref_slice %arg6[%add3A_15, %dma_wait3A] : memref<20480x128xf32, #tpu.memory_space<hbm>> -> memref<640x128xf32, #tpu.memory_space<hbm>>
      %dma_wait3A_20 = arith.constant 0 : i32
      %dma_wait3A_21 = tpu.memref_slice %arg10[%mul3A_10, %dma_wait3A_20] : memref<10240x128xf32, #tpu.memory_space<vmem_shared>> -> memref<640x128xf32, #tpu.memory_space<vmem_shared>>
      tpu.wait_dma2 semaphore(%run_scoped3A : memref<!tpu.dma_semaphore, #tpu.memory_space<semaphore_mem>>) src(%dma_wait3A_21 : memref<640x128xf32, #tpu.memory_space<vmem_shared>>) dst(%dma_wait3A_19 : memref<640x128xf32, #tpu.memory_space<hbm>>)
      tpu.yield
    }) : () -> ()
    return
  }
}

#map = affine_map<(d0, d1) -> (0, 0)>
#map1 = affine_map<(d0, d1) -> (0, 0, 0)>
module attributes {stable_mosaic.version = 14 : i64} {
  func.func @body(%arg0: i32, %arg1: i32, %arg2: memref<10240x128xf32, #tpu.memory_space<hbm>>, %arg3: memref<32x80x128xi32, #tpu.memory_space<hbm>>, %arg4: memref<32x80x128xi32, #tpu.memory_space<hbm>>, %arg5: memref<640x128xf32, #tpu.memory_space<hbm>>, %arg6: memref<20480x128xf32, #tpu.memory_space<hbm>>, %arg7: memref<80x128xi32, #tpu.memory_space<vmem>>, %arg8: memref<80x128xi32, #tpu.memory_space<vmem>>, %arg9: memref<128x128xf32, #tpu.memory_space<vmem>>, %arg10: memref<10240x128xf32, #tpu.memory_space<vmem_shared>>, %arg11: memref<!tpu.dma_semaphore, #tpu.memory_space<semaphore_mem>>) attributes {dimension_semantics = [#tpu.dimension_semantics<core_parallel>, #tpu.dimension_semantics<subcore_parallel>], iteration_bounds = array<i64: 2, 16>, scalar_prefetch = 0 : i64, scratch_operands = 5 : i64, tpu.core_type = #tpu.core_type<sc_vector_subcore>, window_params = [{transform_indices = #map}, {transform_indices = #map1}, {transform_indices = #map1}, {transform_indices = #map}, {transform_indices = #map}]} {
    %mul3A = arith.constant 2 : i32
    %mul3A_0 = arith.muli %arg1, %mul3A : i32
    %add3A = arith.addi %mul3A_0, %arg0 : i32
    %mul3A_1 = arith.constant 640 : i32
    %mul3A_2 = arith.muli %arg1, %mul3A_1 : i32
    "tpu.region"() ({
      %run_scoped3A = tpu.sem_alloc : memref<!tpu.dma_semaphore, #tpu.memory_space<semaphore_mem>>
      %dma_start3A = arith.constant 0 : i32
      %dma_start3A_16 = tpu.memref_slice %arg10[%mul3A_2, %dma_start3A] : memref<10240x128xf32, #tpu.memory_space<vmem_shared>> -> memref<640x128xf32, #tpu.memory_space<vmem_shared>>
      tpu.enqueue_dma source(%arg5 : memref<640x128xf32, #tpu.memory_space<hbm>>) target(%dma_start3A_16 : memref<640x128xf32, #tpu.memory_space<vmem_shared>>) target_semaphore(%run_scoped3A : memref<!tpu.dma_semaphore, #tpu.memory_space<semaphore_mem>>)
      %dma_wait3A = arith.constant 0 : i32
      %dma_wait3A_17 = tpu.memref_slice %arg10[%mul3A_2, %dma_wait3A] : memref<10240x128xf32, #tpu.memory_space<vmem_shared>> -> memref<640x128xf32, #tpu.memory_space<vmem_shared>>
      tpu.wait_dma2 semaphore(%run_scoped3A : memref<!tpu.dma_semaphore, #tpu.memory_space<semaphore_mem>>) src(%arg5 : memref<640x128xf32, #tpu.memory_space<hbm>>) dst(%dma_wait3A_17 : memref<640x128xf32, #tpu.memory_space<vmem_shared>>)
      tpu.yield
    }) : () -> ()
    "tpu.region"() ({
      %run_scoped3A = tpu.sem_alloc : memref<!tpu.dma_semaphore, #tpu.memory_space<semaphore_mem>>
      %dma_start3A = arith.constant 0 : i32
      %dma_start3A_16 = arith.constant 0 : i32
      %dma_start3A_17 = tpu.memref_slice %arg3[%add3A, %dma_start3A, %dma_start3A_16] : memref<32x80x128xi32, #tpu.memory_space<hbm>> -> memref<1x80x128xi32, #tpu.memory_space<hbm>>
      %dma_start3A_18 = tpu.memref_squeeze %dma_start3A_17 : memref<1x80x128xi32, #tpu.memory_space<hbm>> -> memref<80x128xi32, #tpu.memory_space<hbm>>
      %dma_start3A_19 = arith.constant 0 : i32
      %dma_start3A_20 = arith.constant 0 : i32
      %dma_start3A_21 = tpu.memref_slice %arg3[%add3A, %dma_start3A_19, %dma_start3A_20] : memref<32x80x128xi32, #tpu.memory_space<hbm>> -> memref<1x80x128xi32, #tpu.memory_space<hbm>>
      %dma_start3A_22 = tpu.memref_squeeze %dma_start3A_21 : memref<1x80x128xi32, #tpu.memory_space<hbm>> -> memref<80x128xi32, #tpu.memory_space<hbm>>
      tpu.enqueue_dma source(%dma_start3A_22 : memref<80x128xi32, #tpu.memory_space<hbm>>) target(%arg7 : memref<80x128xi32, #tpu.memory_space<vmem>>) target_semaphore(%run_scoped3A : memref<!tpu.dma_semaphore, #tpu.memory_space<semaphore_mem>>)
      %dma_wait3A = arith.constant 0 : i32
      %dma_wait3A_23 = arith.constant 0 : i32
      %dma_wait3A_24 = tpu.memref_slice %arg3[%add3A, %dma_wait3A, %dma_wait3A_23] : memref<32x80x128xi32, #tpu.memory_space<hbm>> -> memref<1x80x128xi32, #tpu.memory_space<hbm>>
      %dma_wait3A_25 = tpu.memref_squeeze %dma_wait3A_24 : memref<1x80x128xi32, #tpu.memory_space<hbm>> -> memref<80x128xi32, #tpu.memory_space<hbm>>
      %dma_wait3A_26 = arith.constant 0 : i32
      %dma_wait3A_27 = arith.constant 0 : i32
      %dma_wait3A_28 = tpu.memref_slice %arg3[%add3A, %dma_wait3A_26, %dma_wait3A_27] : memref<32x80x128xi32, #tpu.memory_space<hbm>> -> memref<1x80x128xi32, #tpu.memory_space<hbm>>
      %dma_wait3A_29 = tpu.memref_squeeze %dma_wait3A_28 : memref<1x80x128xi32, #tpu.memory_space<hbm>> -> memref<80x128xi32, #tpu.memory_space<hbm>>
      tpu.wait_dma2 semaphore(%run_scoped3A : memref<!tpu.dma_semaphore, #tpu.memory_space<semaphore_mem>>) src(%dma_wait3A_29 : memref<80x128xi32, #tpu.memory_space<hbm>>) dst(%arg7 : memref<80x128xi32, #tpu.memory_space<vmem>>)
      tpu.yield
    }) : () -> ()
    "tpu.region"() ({
      %run_scoped3A = tpu.sem_alloc : memref<!tpu.dma_semaphore, #tpu.memory_space<semaphore_mem>>
      %dma_start3A = arith.constant 0 : i32
      %dma_start3A_16 = arith.constant 0 : i32
      %dma_start3A_17 = tpu.memref_slice %arg4[%add3A, %dma_start3A, %dma_start3A_16] : memref<32x80x128xi32, #tpu.memory_space<hbm>> -> memref<1x80x128xi32, #tpu.memory_space<hbm>>
      %dma_start3A_18 = tpu.memref_squeeze %dma_start3A_17 : memref<1x80x128xi32, #tpu.memory_space<hbm>> -> memref<80x128xi32, #tpu.memory_space<hbm>>
      %dma_start3A_19 = arith.constant 0 : i32
      %dma_start3A_20 = arith.constant 0 : i32
      %dma_start3A_21 = tpu.memref_slice %arg4[%add3A, %dma_start3A_19, %dma_start3A_20] : memref<32x80x128xi32, #tpu.memory_space<hbm>> -> memref<1x80x128xi32, #tpu.memory_space<hbm>>
      %dma_start3A_22 = tpu.memref_squeeze %dma_start3A_21 : memref<1x80x128xi32, #tpu.memory_space<hbm>> -> memref<80x128xi32, #tpu.memory_space<hbm>>
      tpu.enqueue_dma source(%dma_start3A_22 : memref<80x128xi32, #tpu.memory_space<hbm>>) target(%arg8 : memref<80x128xi32, #tpu.memory_space<vmem>>) target_semaphore(%run_scoped3A : memref<!tpu.dma_semaphore, #tpu.memory_space<semaphore_mem>>)
      %dma_wait3A = arith.constant 0 : i32
      %dma_wait3A_23 = arith.constant 0 : i32
      %dma_wait3A_24 = tpu.memref_slice %arg4[%add3A, %dma_wait3A, %dma_wait3A_23] : memref<32x80x128xi32, #tpu.memory_space<hbm>> -> memref<1x80x128xi32, #tpu.memory_space<hbm>>
      %dma_wait3A_25 = tpu.memref_squeeze %dma_wait3A_24 : memref<1x80x128xi32, #tpu.memory_space<hbm>> -> memref<80x128xi32, #tpu.memory_space<hbm>>
      %dma_wait3A_26 = arith.constant 0 : i32
      %dma_wait3A_27 = arith.constant 0 : i32
      %dma_wait3A_28 = tpu.memref_slice %arg4[%add3A, %dma_wait3A_26, %dma_wait3A_27] : memref<32x80x128xi32, #tpu.memory_space<hbm>> -> memref<1x80x128xi32, #tpu.memory_space<hbm>>
      %dma_wait3A_29 = tpu.memref_squeeze %dma_wait3A_28 : memref<1x80x128xi32, #tpu.memory_space<hbm>> -> memref<80x128xi32, #tpu.memory_space<hbm>>
      tpu.wait_dma2 semaphore(%run_scoped3A : memref<!tpu.dma_semaphore, #tpu.memory_space<semaphore_mem>>) src(%dma_wait3A_29 : memref<80x128xi32, #tpu.memory_space<hbm>>) dst(%arg8 : memref<80x128xi32, #tpu.memory_space<vmem>>)
      tpu.yield
    }) : () -> ()
    %barrier3A = arith.constant 0 : index
    tpu.barrier barrier_id(%barrier3A)
    %scan3A = arith.constant 0 : i32
    %scan3A_3 = arith.constant 0 : i32
    %scan3A_4 = arith.constant 80 : i32
    %scan3A_5 = arith.addi %scan3A_3, %scan3A_4 : i32
    %scan3A_6 = arith.constant 1 : i32
    scf.for %scan3A_16 = %scan3A_3 to %scan3A_5 step %scan3A_6  : i32 {
      %dma_start3A = arith.constant 0 : i32
      %dma_start3A_17 = tpu.memref_slice %arg7[%scan3A_16, %dma_start3A] : memref<80x128xi32, #tpu.memory_space<vmem>> -> memref<1x128xi32, #tpu.memory_space<vmem>>
      %dma_start3A_18 = tpu.memref_squeeze %dma_start3A_17 : memref<1x128xi32, #tpu.memory_space<vmem>> -> memref<128xi32, #tpu.memory_space<vmem>>
      %dma_start3A_19 = arith.constant 0 : i32
      %dma_start3A_20 = arith.constant 0 : i32
      %dma_start3A_21 = tpu.memref_slice %arg2[%dma_start3A_19, %dma_start3A_20] : memref<10240x128xf32, #tpu.memory_space<hbm>> -> memref<10240x128xf32, #tpu.memory_space<hbm>>
      tpu.enqueue_indirect_dma source(%dma_start3A_21 : memref<10240x128xf32, #tpu.memory_space<hbm>>) target(%arg9 : memref<128x128xf32, #tpu.memory_space<vmem>>) offsets(%dma_start3A_18 : memref<128xi32, #tpu.memory_space<vmem>>) semaphore(%arg11 : memref<!tpu.dma_semaphore, #tpu.memory_space<semaphore_mem>>)
      %dma_wait3A = arith.constant 0 : i32
      %dma_wait3A_22 = tpu.memref_slice %arg7[%scan3A_16, %dma_wait3A] : memref<80x128xi32, #tpu.memory_space<vmem>> -> memref<1x128xi32, #tpu.memory_space<vmem>>
      %dma_wait3A_23 = tpu.memref_squeeze %dma_wait3A_22 : memref<1x128xi32, #tpu.memory_space<vmem>> -> memref<128xi32, #tpu.memory_space<vmem>>
      %dma_wait3A_24 = arith.constant 0 : i32
      %dma_wait3A_25 = arith.constant 0 : i32
      %dma_wait3A_26 = tpu.memref_slice %arg2[%dma_wait3A_24, %dma_wait3A_25] : memref<10240x128xf32, #tpu.memory_space<hbm>> -> memref<10240x128xf32, #tpu.memory_space<hbm>>
      tpu.wait_indirect_dma semaphore(%arg11 : memref<!tpu.dma_semaphore, #tpu.memory_space<semaphore_mem>>) src(%dma_wait3A_26 : memref<10240x128xf32, #tpu.memory_space<hbm>>) dst(%arg9 : memref<128x128xf32, #tpu.memory_space<vmem>>)
      "tpu.region"() ({
        %run_scoped3A = tpu.sem_alloc : memref<!tpu.dma_semaphore, #tpu.memory_space<semaphore_mem>>
        %dma_start3A_27 = arith.constant 0 : i32
        %dma_start3A_28 = tpu.memref_slice %arg8[%scan3A_16, %dma_start3A_27] : memref<80x128xi32, #tpu.memory_space<vmem>> -> memref<1x128xi32, #tpu.memory_space<vmem>>
        %dma_start3A_29 = tpu.memref_squeeze %dma_start3A_28 : memref<1x128xi32, #tpu.memory_space<vmem>> -> memref<128xi32, #tpu.memory_space<vmem>>
        %dma_start3A_30 = arith.constant 0 : i32
        %dma_start3A_31 = arith.constant 0 : i32
        %dma_start3A_32 = tpu.memref_slice %arg10[%dma_start3A_30, %dma_start3A_31] : memref<10240x128xf32, #tpu.memory_space<vmem_shared>> -> memref<10240x128xf32, #tpu.memory_space<vmem_shared>>
        tpu.enqueue_indirect_dma source(%arg9 : memref<128x128xf32, #tpu.memory_space<vmem>>) target(%dma_start3A_32 : memref<10240x128xf32, #tpu.memory_space<vmem_shared>>) offsets(%dma_start3A_29 : memref<128xi32, #tpu.memory_space<vmem>>) semaphore(%run_scoped3A : memref<!tpu.dma_semaphore, #tpu.memory_space<semaphore_mem>>) {add = true}
        %dma_wait3A_33 = arith.constant 0 : i32
        %dma_wait3A_34 = tpu.memref_slice %arg8[%scan3A_16, %dma_wait3A_33] : memref<80x128xi32, #tpu.memory_space<vmem>> -> memref<1x128xi32, #tpu.memory_space<vmem>>
        %dma_wait3A_35 = tpu.memref_squeeze %dma_wait3A_34 : memref<1x128xi32, #tpu.memory_space<vmem>> -> memref<128xi32, #tpu.memory_space<vmem>>
        %dma_wait3A_36 = arith.constant 0 : i32
        %dma_wait3A_37 = arith.constant 0 : i32
        %dma_wait3A_38 = tpu.memref_slice %arg10[%dma_wait3A_36, %dma_wait3A_37] : memref<10240x128xf32, #tpu.memory_space<vmem_shared>> -> memref<10240x128xf32, #tpu.memory_space<vmem_shared>>
        tpu.wait_indirect_dma semaphore(%run_scoped3A : memref<!tpu.dma_semaphore, #tpu.memory_space<semaphore_mem>>) src(%arg9 : memref<128x128xf32, #tpu.memory_space<vmem>>) dst(%dma_wait3A_38 : memref<10240x128xf32, #tpu.memory_space<vmem_shared>>)
        tpu.yield
      }) : () -> ()
    }
    %scan3A_7 = arith.constant 80 : i32
    %barrier3A_8 = arith.constant 0 : index
    tpu.barrier barrier_id(%barrier3A_8)
    %mul3A_9 = arith.constant 640 : i32
    %mul3A_10 = arith.muli %arg1, %mul3A_9 : i32
    %mul3A_11 = arith.constant 10240 : i32
    %mul3A_12 = arith.muli %arg0, %mul3A_11 : i32
    %mul3A_13 = arith.constant 640 : i32
    %mul3A_14 = arith.muli %arg1, %mul3A_13 : i32
    %add3A_15 = arith.addi %mul3A_12, %mul3A_14 : i32
    "tpu.region"() ({
      %run_scoped3A = tpu.sem_alloc : memref<!tpu.dma_semaphore, #tpu.memory_space<semaphore_mem>>
      %dma_start3A = arith.constant 0 : i32
      %dma_start3A_16 = tpu.memref_slice %arg6[%add3A_15, %dma_start3A] : memref<20480x128xf32, #tpu.memory_space<hbm>> -> memref<640x128xf32, #tpu.memory_space<hbm>>
      %dma_start3A_17 = arith.constant 0 : i32
      %dma_start3A_18 = tpu.memref_slice %arg10[%mul3A_10, %dma_start3A_17] : memref<10240x128xf32, #tpu.memory_space<vmem_shared>> -> memref<640x128xf32, #tpu.memory_space<vmem_shared>>
      tpu.enqueue_dma source(%dma_start3A_18 : memref<640x128xf32, #tpu.memory_space<vmem_shared>>) target(%dma_start3A_16 : memref<640x128xf32, #tpu.memory_space<hbm>>) target_semaphore(%run_scoped3A : memref<!tpu.dma_semaphore, #tpu.memory_space<semaphore_mem>>)
      %dma_wait3A = arith.constant 0 : i32
      %dma_wait3A_19 = tpu.memref_slice %arg6[%add3A_15, %dma_wait3A] : memref<20480x128xf32, #tpu.memory_space<hbm>> -> memref<640x128xf32, #tpu.memory_space<hbm>>
      %dma_wait3A_20 = arith.constant 0 : i32
      %dma_wait3A_21 = tpu.memref_slice %arg10[%mul3A_10, %dma_wait3A_20] : memref<10240x128xf32, #tpu.memory_space<vmem_shared>> -> memref<640x128xf32, #tpu.memory_space<vmem_shared>>
      tpu.wait_dma2 semaphore(%run_scoped3A : memref<!tpu.dma_semaphore, #tpu.memory_space<semaphore_mem>>) src(%dma_wait3A_21 : memref<640x128xf32, #tpu.memory_space<vmem_shared>>) dst(%dma_wait3A_19 : memref<640x128xf32, #tpu.memory_space<hbm>>)
      tpu.yield
    }) : () -> ()
    return
  }
}

module attributes {stable_mosaic.version = 14 : i64} {
  func.func @_layer_body(%arg0: i32, %arg1: memref<2x512x128xf32, #tpu.memory_space<vmem>>, %arg2: memref<2x512x1xf32, #tpu.memory_space<vmem>>, %arg3: memref<512x128xf32, #tpu.memory_space<vmem>>, %arg4: memref<128x128xf32, #tpu.memory_space<vmem>>, %arg5: memref<1x128xf32, #tpu.memory_space<vmem>>, %arg6: memref<128x128xf32, #tpu.memory_space<vmem>>, %arg7: memref<512x128xf32, #tpu.memory_space<vmem>>) attributes {dimension_semantics = [#tpu.dimension_semantics<arbitrary>], iteration_bounds = array<i64: 20>, scalar_prefetch = 0 : i64, scratch_operands = 0 : i64, tpu.core_type = #tpu.core_type<tc>, window_params = [{transform_indices = @transform_0, window_bounds = array<i64: 2, 512, 128>}, {transform_indices = @transform_1, window_bounds = array<i64: 2, 512, 1>}, {transform_indices = @transform_2, window_bounds = array<i64: 512, 128>}, {pipeline_mode = #tpu.pipeline_mode<synchronous>, transform_indices = @transform_3, window_bounds = array<i64: 128, 128>}, {pipeline_mode = #tpu.pipeline_mode<synchronous>, transform_indices = @transform_4, window_bounds = array<i64: 1, 128>}, {pipeline_mode = #tpu.pipeline_mode<synchronous>, transform_indices = @transform_5, window_bounds = array<i64: 128, 128>}, {transform_indices = @transform_6, window_bounds = array<i64: 512, 128>}]} {
    %get3A = arith.constant 0 : index
    %get3A_0 = arith.constant 0 : index
    %get3A_1 = arith.constant 0 : index
    %get3A_2 = vector.load %arg1[%get3A, %get3A_0, %get3A_1] : memref<2x512x128xf32, #tpu.memory_space<vmem>>, vector<1x512x128xf32>
    %get3A_3 = vector.shape_cast %get3A_2 : vector<1x512x128xf32> to vector<512x128xf32>
    %get3A_4 = arith.constant 1 : index
    %get3A_5 = arith.constant 0 : index
    %get3A_6 = arith.constant 0 : index
    %get3A_7 = vector.load %arg1[%get3A_4, %get3A_5, %get3A_6] : memref<2x512x128xf32, #tpu.memory_space<vmem>>, vector<1x512x128xf32>
    %get3A_8 = vector.shape_cast %get3A_7 : vector<1x512x128xf32> to vector<512x128xf32>
    %add3A = arith.addf %get3A_3, %get3A_8 : vector<512x128xf32>
    %get3A_9 = arith.constant 0 : index
    %get3A_10 = arith.constant 0 : index
    %get3A_11 = arith.constant 0 : index
    %get3A_12 = vector.load %arg2[%get3A_9, %get3A_10, %get3A_11] : memref<2x512x1xf32, #tpu.memory_space<vmem>>, vector<2x512x1xf32>
    %reduce_sum3A = arith.constant dense<0.000000e+00> : vector<512x1xf32>
    %reduce_sum3A_13 = vector.multi_reduction <add>, %get3A_12, %reduce_sum3A [0] : vector<2x512x1xf32> to vector<512x1xf32>
    %max3A = arith.constant 1.000000e+00 : f32
    %max3A_14 = vector.broadcast %max3A : f32 to vector<512x1xf32>
    %max3A_15 = arith.maximumf %reduce_sum3A_13, %max3A_14 : vector<512x1xf32>
    %div3A = arith.constant 1.000000e+00 : f32
    %div3A_16 = vector.broadcast %div3A : f32 to vector<512x1xf32>
    %div3A_17 = arith.divf %div3A_16, %max3A_15 : vector<512x1xf32>
    %mul3A = vector.broadcast %div3A_17 : vector<512x1xf32> to vector<512x128xf32>
    %mul3A_18 = arith.mulf %add3A, %mul3A : vector<512x128xf32>
    %get3A_19 = arith.constant 0 : index
    %get3A_20 = arith.constant 0 : index
    %get3A_21 = vector.load %arg4[%get3A_19, %get3A_20] : memref<128x128xf32, #tpu.memory_space<vmem>>, vector<128x128xf32>
    %dot_general3A = arith.constant dense<0.000000e+00> : vector<512x128xf32>
    %dot_general3A_22 = tpu.matmul %mul3A_18, %get3A_21, %dot_general3A {dimension_numbers = #tpu.dot_dimension_numbers<[1], [0], [0], [1], [0, 0, 1, 1], [], []>, transpose_lhs_hint = false} : vector<512x128xf32>, vector<128x128xf32>, vector<512x128xf32> -> vector<512x128xf32>
    %get3A_23 = arith.constant 0 : index
    %get3A_24 = arith.constant 0 : index
    %get3A_25 = vector.load %arg5[%get3A_23, %get3A_24] : memref<1x128xf32, #tpu.memory_space<vmem>>, vector<1x128xf32>
    %add3A_26 = vector.broadcast %get3A_25 : vector<1x128xf32> to vector<512x128xf32>
    %add3A_27 = arith.addf %dot_general3A_22, %add3A_26 : vector<512x128xf32>
    %get3A_28 = arith.constant 0 : index
    %get3A_29 = arith.constant 0 : index
    %get3A_30 = vector.load %arg3[%get3A_28, %get3A_29] : memref<512x128xf32, #tpu.memory_space<vmem>>, vector<512x128xf32>
    %get3A_31 = arith.constant 0 : index
    %get3A_32 = arith.constant 0 : index
    %get3A_33 = vector.load %arg6[%get3A_31, %get3A_32] : memref<128x128xf32, #tpu.memory_space<vmem>>, vector<128x128xf32>
    %dot_general3A_34 = arith.constant dense<0.000000e+00> : vector<512x128xf32>
    %dot_general3A_35 = tpu.matmul %get3A_30, %get3A_33, %dot_general3A_34 {dimension_numbers = #tpu.dot_dimension_numbers<[1], [0], [0], [1], [0, 0, 1, 1], [], []>, transpose_lhs_hint = false} : vector<512x128xf32>, vector<128x128xf32>, vector<512x128xf32> -> vector<512x128xf32>
    %add3A_36 = arith.addf %add3A_27, %dot_general3A_35 : vector<512x128xf32>
    %max3A_37 = arith.constant 0.000000e+00 : f32
    %max3A_38 = vector.broadcast %max3A_37 : f32 to vector<512x128xf32>
    %max3A_39 = arith.maximumf %add3A_36, %max3A_38 : vector<512x128xf32>
    %swap3A = arith.constant 0 : index
    %swap3A_40 = arith.constant 0 : index
    %swap3A_41 = vector.load %arg7[%swap3A, %swap3A_40] : memref<512x128xf32, #tpu.memory_space<vmem>>, vector<512x128xf32>
    tpu.vector_store %arg7[%swap3A, %swap3A_40], %max3A_39 {strides = array<i32>} : memref<512x128xf32, #tpu.memory_space<vmem>>, vector<512x128xf32>,
    return
  }
  func.func @transform_0(%arg0: i32) -> (i32, i32, i32) {
    %c0_i32 = arith.constant 0 : i32
    %c0_i32_0 = arith.constant 0 : i32
    %c0_i32_1 = arith.constant 0 : i32
    return %c0_i32, %arg0, %c0_i32_0 : i32, i32, i32
  }
  func.func @transform_1(%arg0: i32) -> (i32, i32, i32) {
    %c0_i32 = arith.constant 0 : i32
    %c0_i32_0 = arith.constant 0 : i32
    %c0_i32_1 = arith.constant 0 : i32
    return %c0_i32, %arg0, %c0_i32_0 : i32, i32, i32
  }
  func.func @transform_2(%arg0: i32) -> (i32, i32) {
    %c0_i32 = arith.constant 0 : i32
    %c0_i32_0 = arith.constant 0 : i32
    return %arg0, %c0_i32 : i32, i32
  }
  func.func @transform_3(%arg0: i32) -> (i32, i32) {
    %c0_i32 = arith.constant 0 : i32
    %c0_i32_0 = arith.constant 0 : i32
    %c0_i32_1 = arith.constant 0 : i32
    return %c0_i32, %c0_i32_0 : i32, i32
  }
  func.func @transform_4(%arg0: i32) -> (i32, i32) {
    %c0_i32 = arith.constant 0 : i32
    %c0_i32_0 = arith.constant 0 : i32
    %c0_i32_1 = arith.constant 0 : i32
    return %c0_i32, %c0_i32_0 : i32, i32
  }
  func.func @transform_5(%arg0: i32) -> (i32, i32) {
    %c0_i32 = arith.constant 0 : i32
    %c0_i32_0 = arith.constant 0 : i32
    %c0_i32_1 = arith.constant 0 : i32
    return %c0_i32, %c0_i32_0 : i32, i32
  }
  func.func @transform_6(%arg0: i32) -> (i32, i32) {
    %c0_i32 = arith.constant 0 : i32
    %c0_i32_0 = arith.constant 0 : i32
    return %arg0, %c0_i32 : i32, i32
  }
}

module attributes {stable_mosaic.version = 14 : i64} {
  func.func @_pool_body(%arg0: i32, %arg1: memref<2x512x128xf32, #tpu.memory_space<vmem>>, %arg2: memref<2x512x1xf32, #tpu.memory_space<vmem>>, %arg3: memref<512x128xf32, #tpu.memory_space<vmem>>, %arg4: memref<128x128xf32, #tpu.memory_space<vmem>>, %arg5: memref<1x128xf32, #tpu.memory_space<vmem>>, %arg6: memref<128x128xf32, #tpu.memory_space<vmem>>, %arg7: memref<512x1xi32, #tpu.memory_space<vmem>>, %arg8: memref<64x128xf32, #tpu.memory_space<vmem>>, %arg9: memref<64x128xf32, #tpu.memory_space<vmem>>) attributes {dimension_semantics = [#tpu.dimension_semantics<arbitrary>], iteration_bounds = array<i64: 20>, scalar_prefetch = 0 : i64, scratch_operands = 1 : i64, tpu.core_type = #tpu.core_type<tc>, window_params = [{transform_indices = @transform_0, window_bounds = array<i64: 2, 512, 128>}, {transform_indices = @transform_1, window_bounds = array<i64: 2, 512, 1>}, {transform_indices = @transform_2, window_bounds = array<i64: 512, 128>}, {pipeline_mode = #tpu.pipeline_mode<synchronous>, transform_indices = @transform_3, window_bounds = array<i64: 128, 128>}, {pipeline_mode = #tpu.pipeline_mode<synchronous>, transform_indices = @transform_4, window_bounds = array<i64: 1, 128>}, {pipeline_mode = #tpu.pipeline_mode<synchronous>, transform_indices = @transform_5, window_bounds = array<i64: 128, 128>}, {transform_indices = @transform_6, window_bounds = array<i64: 512, 1>}, {pipeline_mode = #tpu.pipeline_mode<synchronous>, transform_indices = @transform_7, window_bounds = array<i64: 64, 128>}]} {
    %eq3A = arith.constant 0 : i32
    %eq3A_0 = arith.cmpi eq, %arg0, %eq3A : i32
    %convert_element_type3A = arith.extui %eq3A_0 : i1 to i32
    %cond3A = arith.constant 0 : i32
    %cond3A_1 = arith.cmpi ne, %convert_element_type3A, %cond3A : i32
    scf.if %cond3A_1 {
      %broadcast_in_dim3A_73 = arith.constant 0.000000e+00 : f32
      %broadcast_in_dim3A_74 = vector.broadcast %broadcast_in_dim3A_73 : f32 to vector<64x128xf32>
      %swap3A_75 = arith.constant 0 : index
      %swap3A_76 = arith.constant 0 : index
      %swap3A_77 = vector.load %arg8[%swap3A_75, %swap3A_76] : memref<64x128xf32, #tpu.memory_space<vmem>>, vector<64x128xf32>
      tpu.vector_store %arg8[%swap3A_75, %swap3A_76], %broadcast_in_dim3A_74 {strides = array<i32>} : memref<64x128xf32, #tpu.memory_space<vmem>>, vector<64x128xf32>,
      %broadcast_in_dim3A_78 = arith.constant 0.000000e+00 : f32
      %broadcast_in_dim3A_79 = vector.broadcast %broadcast_in_dim3A_78 : f32 to vector<64x128xf32>
      %swap3A_80 = arith.constant 0 : index
      %swap3A_81 = arith.constant 0 : index
      %swap3A_82 = vector.load %arg9[%swap3A_80, %swap3A_81] : memref<64x128xf32, #tpu.memory_space<vmem>>, vector<64x128xf32>
      tpu.vector_store %arg9[%swap3A_80, %swap3A_81], %broadcast_in_dim3A_79 {strides = array<i32>} : memref<64x128xf32, #tpu.memory_space<vmem>>, vector<64x128xf32>,
    } else {
    }
    %get3A = arith.constant 0 : index
    %get3A_2 = arith.constant 0 : index
    %get3A_3 = arith.constant 0 : index
    %get3A_4 = vector.load %arg1[%get3A, %get3A_2, %get3A_3] : memref<2x512x128xf32, #tpu.memory_space<vmem>>, vector<1x512x128xf32>
    %get3A_5 = vector.shape_cast %get3A_4 : vector<1x512x128xf32> to vector<512x128xf32>
    %get3A_6 = arith.constant 1 : index
    %get3A_7 = arith.constant 0 : index
    %get3A_8 = arith.constant 0 : index
    %get3A_9 = vector.load %arg1[%get3A_6, %get3A_7, %get3A_8] : memref<2x512x128xf32, #tpu.memory_space<vmem>>, vector<1x512x128xf32>
    %get3A_10 = vector.shape_cast %get3A_9 : vector<1x512x128xf32> to vector<512x128xf32>
    %add3A = arith.addf %get3A_5, %get3A_10 : vector<512x128xf32>
    %get3A_11 = arith.constant 0 : index
    %get3A_12 = arith.constant 0 : index
    %get3A_13 = arith.constant 0 : index
    %get3A_14 = vector.load %arg2[%get3A_11, %get3A_12, %get3A_13] : memref<2x512x1xf32, #tpu.memory_space<vmem>>, vector<2x512x1xf32>
    %reduce_sum3A = arith.constant dense<0.000000e+00> : vector<512x1xf32>
    %reduce_sum3A_15 = vector.multi_reduction <add>, %get3A_14, %reduce_sum3A [0] : vector<2x512x1xf32> to vector<512x1xf32>
    %max3A = arith.constant 1.000000e+00 : f32
    %max3A_16 = vector.broadcast %max3A : f32 to vector<512x1xf32>
    %max3A_17 = arith.maximumf %reduce_sum3A_15, %max3A_16 : vector<512x1xf32>
    %div3A = arith.constant 1.000000e+00 : f32
    %div3A_18 = vector.broadcast %div3A : f32 to vector<512x1xf32>
    %div3A_19 = arith.divf %div3A_18, %max3A_17 : vector<512x1xf32>
    %mul3A = vector.broadcast %div3A_19 : vector<512x1xf32> to vector<512x128xf32>
    %mul3A_20 = arith.mulf %add3A, %mul3A : vector<512x128xf32>
    %get3A_21 = arith.constant 0 : index
    %get3A_22 = arith.constant 0 : index
    %get3A_23 = vector.load %arg4[%get3A_21, %get3A_22] : memref<128x128xf32, #tpu.memory_space<vmem>>, vector<128x128xf32>
    %dot_general3A = arith.constant dense<0.000000e+00> : vector<512x128xf32>
    %dot_general3A_24 = tpu.matmul %mul3A_20, %get3A_23, %dot_general3A {dimension_numbers = #tpu.dot_dimension_numbers<[1], [0], [0], [1], [0, 0, 1, 1], [], []>, transpose_lhs_hint = false} : vector<512x128xf32>, vector<128x128xf32>, vector<512x128xf32> -> vector<512x128xf32>
    %get3A_25 = arith.constant 0 : index
    %get3A_26 = arith.constant 0 : index
    %get3A_27 = vector.load %arg5[%get3A_25, %get3A_26] : memref<1x128xf32, #tpu.memory_space<vmem>>, vector<1x128xf32>
    %add3A_28 = vector.broadcast %get3A_27 : vector<1x128xf32> to vector<512x128xf32>
    %add3A_29 = arith.addf %dot_general3A_24, %add3A_28 : vector<512x128xf32>
    %get3A_30 = arith.constant 0 : index
    %get3A_31 = arith.constant 0 : index
    %get3A_32 = vector.load %arg3[%get3A_30, %get3A_31] : memref<512x128xf32, #tpu.memory_space<vmem>>, vector<512x128xf32>
    %get3A_33 = arith.constant 0 : index
    %get3A_34 = arith.constant 0 : index
    %get3A_35 = vector.load %arg6[%get3A_33, %get3A_34] : memref<128x128xf32, #tpu.memory_space<vmem>>, vector<128x128xf32>
    %dot_general3A_36 = arith.constant dense<0.000000e+00> : vector<512x128xf32>
    %dot_general3A_37 = tpu.matmul %get3A_32, %get3A_35, %dot_general3A_36 {dimension_numbers = #tpu.dot_dimension_numbers<[1], [0], [0], [1], [0, 0, 1, 1], [], []>, transpose_lhs_hint = false} : vector<512x128xf32>, vector<128x128xf32>, vector<512x128xf32> -> vector<512x128xf32>
    %add3A_38 = arith.addf %add3A_29, %dot_general3A_37 : vector<512x128xf32>
    %max3A_39 = arith.constant 0.000000e+00 : f32
    %max3A_40 = vector.broadcast %max3A_39 : f32 to vector<512x128xf32>
    %max3A_41 = arith.maximumf %add3A_38, %max3A_40 : vector<512x128xf32>
    %iota3A = tpu.iota {dimensions = array<i32: 1>} : vector<1x64xi32>
    %get3A_42 = arith.constant 0 : index
    %get3A_43 = arith.constant 0 : index
    %get3A_44 = vector.load %arg7[%get3A_42, %get3A_43] : memref<512x1xi32, #tpu.memory_space<vmem>>, vector<512x1xi32>
    %eq3A_45 = vector.broadcast %get3A_44 : vector<512x1xi32> to vector<512x64xi32>
    %eq3A_46 = vector.broadcast %iota3A : vector<1x64xi32> to vector<512x64xi32>
    %eq3A_47 = arith.cmpi eq, %eq3A_45, %eq3A_46 : vector<512x64xi32>
    %convert_element_type3A_48 = arith.extui %eq3A_47 : vector<512x64xi1> to vector<512x64xi32>
    %convert_element_type3A_49 = arith.sitofp %convert_element_type3A_48 : vector<512x64xi32> to vector<512x64xf32>
    %get3A_50 = arith.constant 0 : index
    %get3A_51 = arith.constant 0 : index
    %get3A_52 = vector.load %arg8[%get3A_50, %get3A_51] : memref<64x128xf32, #tpu.memory_space<vmem>>, vector<64x128xf32>
    %dot_general3A_53 = arith.constant dense<0.000000e+00> : vector<64x128xf32>
    %dot_general3A_54 = tpu.matmul %convert_element_type3A_49, %max3A_41, %dot_general3A_53 {dimension_numbers = #tpu.dot_dimension_numbers<[0], [0], [1], [1], [0, 1, 1, 1], [], []>, transpose_lhs_hint = false} : vector<512x64xf32>, vector<512x128xf32>, vector<64x128xf32> -> vector<64x128xf32>
    %add3A_55 = arith.addf %get3A_52, %dot_general3A_54 : vector<64x128xf32>
    %swap3A = arith.constant 0 : index
    %swap3A_56 = arith.constant 0 : index
    %swap3A_57 = vector.load %arg8[%swap3A, %swap3A_56] : memref<64x128xf32, #tpu.memory_space<vmem>>, vector<64x128xf32>
    tpu.vector_store %arg8[%swap3A, %swap3A_56], %add3A_55 {strides = array<i32>} : memref<64x128xf32, #tpu.memory_space<vmem>>, vector<64x128xf32>,
    %get3A_58 = arith.constant 0 : index
    %get3A_59 = arith.constant 0 : index
    %get3A_60 = vector.load %arg9[%get3A_58, %get3A_59] : memref<64x128xf32, #tpu.memory_space<vmem>>, vector<64x128xf32>
    %broadcast_in_dim3A = arith.constant 1.000000e+00 : f32
    %broadcast_in_dim3A_61 = vector.broadcast %broadcast_in_dim3A : f32 to vector<512x128xf32>
    %dot_general3A_62 = arith.constant dense<0.000000e+00> : vector<64x128xf32>
    %dot_general3A_63 = tpu.matmul %convert_element_type3A_49, %broadcast_in_dim3A_61, %dot_general3A_62 {dimension_numbers = #tpu.dot_dimension_numbers<[0], [0], [1], [1], [0, 1, 1, 1], [], []>, transpose_lhs_hint = false} : vector<512x64xf32>, vector<512x128xf32>, vector<64x128xf32> -> vector<64x128xf32>
    %add3A_64 = arith.addf %get3A_60, %dot_general3A_63 : vector<64x128xf32>
    %swap3A_65 = arith.constant 0 : index
    %swap3A_66 = arith.constant 0 : index
    %swap3A_67 = vector.load %arg9[%swap3A_65, %swap3A_66] : memref<64x128xf32, #tpu.memory_space<vmem>>, vector<64x128xf32>
    tpu.vector_store %arg9[%swap3A_65, %swap3A_66], %add3A_64 {strides = array<i32>} : memref<64x128xf32, #tpu.memory_space<vmem>>, vector<64x128xf32>,
    %eq3A_68 = arith.constant 19 : i32
    %eq3A_69 = arith.cmpi eq, %arg0, %eq3A_68 : i32
    %convert_element_type3A_70 = arith.extui %eq3A_69 : i1 to i32
    %cond3A_71 = arith.constant 0 : i32
    %cond3A_72 = arith.cmpi ne, %convert_element_type3A_70, %cond3A_71 : i32
    scf.if %cond3A_72 {
      %get3A_73 = arith.constant 0 : index
      %get3A_74 = arith.constant 0 : index
      %get3A_75 = vector.load %arg8[%get3A_73, %get3A_74] : memref<64x128xf32, #tpu.memory_space<vmem>>, vector<64x128xf32>
      %get3A_76 = arith.constant 0 : index
      %get3A_77 = arith.constant 0 : index
      %get3A_78 = vector.load %arg9[%get3A_76, %get3A_77] : memref<64x128xf32, #tpu.memory_space<vmem>>, vector<64x128xf32>
      %max3A_79 = arith.constant 1.000000e+00 : f32
      %max3A_80 = vector.broadcast %max3A_79 : f32 to vector<64x128xf32>
      %max3A_81 = arith.maximumf %get3A_78, %max3A_80 : vector<64x128xf32>
      %div3A_82 = arith.divf %get3A_75, %max3A_81 : vector<64x128xf32>
      %swap3A_83 = arith.constant 0 : index
      %swap3A_84 = arith.constant 0 : index
      %swap3A_85 = vector.load %arg8[%swap3A_83, %swap3A_84] : memref<64x128xf32, #tpu.memory_space<vmem>>, vector<64x128xf32>
      tpu.vector_store %arg8[%swap3A_83, %swap3A_84], %div3A_82 {strides = array<i32>} : memref<64x128xf32, #tpu.memory_space<vmem>>, vector<64x128xf32>,
    } else {
    }
    return
  }
  func.func @transform_0(%arg0: i32) -> (i32, i32, i32) {
    %c0_i32 = arith.constant 0 : i32
    %c0_i32_0 = arith.constant 0 : i32
    %c0_i32_1 = arith.constant 0 : i32
    return %c0_i32, %arg0, %c0_i32_0 : i32, i32, i32
  }
  func.func @transform_1(%arg0: i32) -> (i32, i32, i32) {
    %c0_i32 = arith.constant 0 : i32
    %c0_i32_0 = arith.constant 0 : i32
    %c0_i32_1 = arith.constant 0 : i32
    return %c0_i32, %arg0, %c0_i32_0 : i32, i32, i32
  }
  func.func @transform_2(%arg0: i32) -> (i32, i32) {
    %c0_i32 = arith.constant 0 : i32
    %c0_i32_0 = arith.constant 0 : i32
    return %arg0, %c0_i32 : i32, i32
  }
  func.func @transform_3(%arg0: i32) -> (i32, i32) {
    %c0_i32 = arith.constant 0 : i32
    %c0_i32_0 = arith.constant 0 : i32
    %c0_i32_1 = arith.constant 0 : i32
    return %c0_i32, %c0_i32_0 : i32, i32
  }
  func.func @transform_4(%arg0: i32) -> (i32, i32) {
    %c0_i32 = arith.constant 0 : i32
    %c0_i32_0 = arith.constant 0 : i32
    %c0_i32_1 = arith.constant 0 : i32
    return %c0_i32, %c0_i32_0 : i32, i32
  }
  func.func @transform_5(%arg0: i32) -> (i32, i32) {
    %c0_i32 = arith.constant 0 : i32
    %c0_i32_0 = arith.constant 0 : i32
    %c0_i32_1 = arith.constant 0 : i32
    return %c0_i32, %c0_i32_0 : i32, i32
  }
  func.func @transform_6(%arg0: i32) -> (i32, i32) {
    %c0_i32 = arith.constant 0 : i32
    %c0_i32_0 = arith.constant 0 : i32
    return %arg0, %c0_i32 : i32, i32
  }
  func.func @transform_7(%arg0: i32) -> (i32, i32) {
    %c0_i32 = arith.constant 0 : i32
    %c0_i32_0 = arith.constant 0 : i32
    %c0_i32_1 = arith.constant 0 : i32
    return %c0_i32, %c0_i32_0 : i32, i32
  }
}

</mosaic_0001>

<sc_bundles>
// kernel: kernel.11.cloned.1.call-start
scs
__scs_entry_jumppad:
0x0: {  	(pc) =	sbr.rel $0x88, $3  }
0x1: {  	(tag) =	ssettag $0x0;
	lr =	simm.s32 $0x1  }
0x2: {  	[smem:$0x3F95] =	sst lr;
	_ =	strace $0xD0000000  }
0x3: {  	_ = 	snop  }
0x4: {  	_ = 	snop  }
0x5: {  	_ = 	snop  }
0x6: {  	_ = 	snop  }
0x7: {  	_ = 	snop  }
__scs_overlays_trampoline_lowered:
0x8: {  	[smem:$0x3FA4] =	sst s0  }
0x9: {  	[smem:$0x3FA5] =	sst s1  }
0xa: {  	[smem:$0x3FA6] =	sst s2  }
0xb: {  	[smem:$0x3FA7] =	sst s3  }
0xc: {  	[smem:$0x3FA8] =	sst s4  }
0xd: {  	[smem:$0x3FA9] =	sst s5  }
0xe: {  	[smem:$0x3FAA] =	sst s6  }
0xf: {  	[smem:$0x3FAB] =	sst s7  }
0x10: {  	[smem:$0x3FAC] =	sst s8  }
0x11: {  	[smem:$0x3FAD] =	sst s9;
	s0 =	simm.s32 @!p0 $0x0  }
0x12: {  	s1 =	sld [smem:$0x3F93];
	s0 =	simm.s32 @p0 $0x1  }
0x13: {  	[smem:$0x3FAE] =	sst s0;
	s0 =	simm.s32 @!p1 $0x0  }
0x14: {  	s2 =	sld [smem:$0x3F92];
	s0 =	simm.s32 @p1 $0x1  }
0x15: {  	[smem:$0x3FAF] =	sst s0;
	s0 =	simm.s32 @!p2 $0x0  }
0x16: {  	s3 =	sld [smem:$0x3FDB];
	s0 =	simm.s32 @p2 $0x1  }
0x17: {  	s4 =	simm.s32 $0x1BF5;
	[smem:$0x3FB1] =	sst s0  }
0x18: {  	s0 =	sld [smem:$0x3F94];
	_ =	swait.ge [sflag:s4], $0x0  }
0x19: {  	s7 =	sld [smem:$0x3F95]  }
0x1a: {  	s8 =	sadd.s32 $0xFFFFE003, lr  }
0x1b: {  	s9 =	sadd.s32 $0xFFFFFEF7, lr;
	s5 =	simm.s32 $0xFFFFFFFF;
	p2 =	slt.u32 s8, $0xFFFFF086  }
0x1c: {  	p1 =	slt.u32 s9, $0xF7A;
	s5 =	simm.s32 @!p2 $0x0  }
0x1d: {  	s5 =	simm.s32 @p1 $0x1;
	p0 =	seq.s32 s7, s2  }
0x1e: {  	s7 =	smul.u32 @!p0 $0xF7A, s2;
	p2 =	seq.s32 @!p0 s5, $0x0  }
0x1f: {  	s9 =	smul.u32 $0xF7A, s1;
	s8 =	simm.s32 @!p0 $0x1BF5;
	p2 =	por !p2, p0  }
0x20: {  	[sflag:s8] =	ssyncset.s32 @!p0 $0xFFFFF086;
	s6 =	sadd.s32 @!p0 s3, s7;
	s7 =	simm.s32 @!p0 $0x108  }
0x21: {  	s3 =	sadd.s32 s3, s9;
	s6 =	sadd.s32 @!p0 $0x88, s6;
	s7 =	simm.s32 @p2 $0x1082  }
0x22: {  	[simem:s7], [sflag:s8] =	dma.local @!p0 [hbm:s6], $0xF7A  }
0x23: {  	s9 =	sor.u32 $0xD0000000, s2;
	s6 =	simm.s32 $0x108;
	_ =	swait.ge @!p0 [sflag:s8], $0x0  }
0x24: {  	s3 =	sadd.s32 $0x88, s3;
	s6 =	simm.s32 @!p1 $0x1082;
	[sflag:s4] =	ssyncset.s32 $0xFFFFF086  }
0x25: {  	[simem:s6], [sflag:s4] =	dma.local [hbm:s3], $0xF7A  }
0x26: {  	[smem:$0x3F95] =	sst s1;
	(tag) =	ssettag s2;
	_ =	strace s9  }
0x27: {  	s1 =	sld [smem:$0x3FA5]  }
0x28: {  	s2 =	sld [smem:$0x3FA6]  }
0x29: {  	s4 =	sld [smem:$0x3FA8]  }
0x2a: {  	p0 =	seq.s32 s5, $0x0;
	s5 =	sld [smem:$0x3FA9]  }
0x2b: {  	s6 =	sld [smem:$0x3FAA]  }
0x2c: {  	s7 =	sld [smem:$0x3FAB]  }
0x2d: {  	s3 =	simm.s32 $0x108;
	s8 =	sld [smem:$0x3FAC]  }
0x2e: {  	s3 =	simm.s32 @!p0 $0x1082;
	s9 =	sld [smem:$0x3FAD]  }
0x2f: {  	lr =	sadd.s32 s0, s3;
	s0 =	sld [smem:$0x3FA4]  }
0x30: {  	s3 =	sld [smem:$0x3FA7]  }
0x31: {  	[smem:$0x3FB0] =	sst s10  }
0x32: {  	s10 =	sld [smem:$0x3FAE];
	_ =	sdelay $0x3  }
0x33: {  	p0 =	seq.s32 s10, $0x1;
	s10 =	sld [smem:$0x3FB0];
	_ =	sdelay $0x3  }
0x34: {  	[smem:$0x3FB0] =	sst s10  }
0x35: {  	s10 =	sld [smem:$0x3FAF];
	_ =	sdelay $0x3  }
0x36: {  	p1 =	seq.s32 s10, $0x1;
	s10 =	sld [smem:$0x3FB0];
	_ =	sdelay $0x3  }
0x37: {  	[smem:$0x3FB0] =	sst s10  }
0x38: {  	s10 =	sld [smem:$0x3FB1]  }
0x39: {  	_ = 	snop;
	(pc) =	sbr.ind lr, $3  }
0x3a: {  	_ = 	snop  }
0x3b: {  	_ = 	snop  }
0x3c: {  	p2 =	seq.s32 s10, $0x1;
	s10 =	sld [smem:$0x3FB0]  }
0x3d: {  	_ =	shalt  }
0x3e: {  	_ =	shalt  }
0x3f: {  	_ =	shalt  }
0x40: {  	_ =	shalt  }
0x41: {  	_ =	shalt  }
0x42: {  	_ =	shalt  }
0x43: {  	_ =	shalt  }
0x44: {  	_ =	shalt  }
0x45: {  	_ =	shalt  }
0x46: {  	_ =	shalt  }
0x47: {  	_ =	shalt  }
0x48: {  	_ =	shalt  }
0x49: {  	_ =	shalt  }
0x4a: {  	_ =	shalt  }
0x4b: {  	_ =	shalt  }
0x4c: {  	_ =	shalt  }
0x4d: {  	_ =	shalt  }
0x4e: {  	_ =	shalt  }
0x4f: {  	_ =	shalt  }
0x50: {  	_ =	shalt  }
0x51: {  	_ =	shalt  }
0x52: {  	_ =	shalt  }
0x53: {  	_ =	shalt  }
0x54: {  	_ =	shalt  }
0x55: {  	_ =	shalt  }
0x56: {  	_ =	shalt  }
0x57: {  	_ =	shalt  }
0x58: {  	_ =	shalt  }
0x59: {  	_ =	shalt  }
0x5a: {  	_ =	shalt  }
0x5b: {  	_ =	shalt  }
0x5c: {  	_ =	shalt  }
0x5d: {  	_ =	shalt  }
0x5e: {  	_ =	shalt  }
0x5f: {  	_ =	shalt  }
0x60: {  	_ =	shalt  }
0x61: {  	_ =	shalt  }
0x62: {  	_ =	shalt  }
0x63: {  	_ =	shalt  }
0x64: {  	_ =	shalt  }
0x65: {  	_ =	shalt  }
0x66: {  	_ =	shalt  }
0x67: {  	_ =	shalt  }
0x68: {  	_ =	shalt  }
0x69: {  	_ =	shalt  }
0x6a: {  	_ =	shalt  }
0x6b: {  	_ =	shalt  }
0x6c: {  	_ =	shalt  }
0x6d: {  	_ =	shalt  }
0x6e: {  	_ =	shalt  }
0x6f: {  	_ =	shalt  }
0x70: {  	_ =	shalt  }
0x71: {  	_ =	shalt  }
0x72: {  	_ =	shalt  }
0x73: {  	_ =	shalt  }
0x74: {  	_ =	shalt  }
0x75: {  	_ =	shalt  }
0x76: {  	_ =	shalt  }
0x77: {  	_ =	shalt  }
0x78: {  	_ =	shalt  }
0x79: {  	_ =	shalt  }
0x7a: {  	_ =	shalt  }
0x7b: {  	_ =	shalt  }
0x7c: {  	_ =	shalt  }
0x7d: {  	_ =	shalt  }
0x7e: {  	_ =	shalt  }
0x7f: {  	_ =	shalt  }
0x80: {  	_ =	shalt  }
0x81: {  	_ =	shalt  }
0x82: {  	_ =	shalt  }
0x83: {  	_ =	shalt  }
0x84: {  	_ =	shalt  }
0x85: {  	_ =	shalt  }
0x86: {  	_ =	shalt  }
0x87: {  	_ =	shalt  }
.Lfunc_end0:
.L_simem_size_0:
called_computation.1_lowered:
.L_overlay_start_0:
0x88: {  	s2 =	sld [smem:$0x3FD9]  }
0x89: {  	s3 =	sld [smem:$0x3FFE];
	_ =	sdelay $0x1  }
0x8a: {  	s1 =	srdreg.scid  }
0x8b: {  	s0 =	sand.u32 $0x1, s1  }
0x8c: {  	s16 =	sshll.u32 s0, $0xA;
	s2 =	sadd.s32 s3, s2  }
0x8d: {  	s2 =	sadd.s32 s2, s16  }
0x8e: {  	[smem:$0x3FBC] =	sst s2  }
0x8f: {  	_ = 	snop  }
0x90: {  	(tm) =	ssettm $0x1  }
0x91: {  	s17 =	sld [smem:$0x3FFB];
	_ =	sdelay $0x3  }
0x92: {  	_ =	strace s17  }
0x93: {  	s2 =	sld [smem:$0x3FFC];
	_ =	sdelay $0x3  }
0x94: {  	_ =	strace s2  }
0x95: {  	s2 =	sld [smem:$0x3FFD];
	_ =	sdelay $0x3  }
0x96: {  	_ =	strace s2  }
0x97: {  	_ =	strace $0x8FFFFFFF  }
0x98: {  	s18 =	sld [smem:$0x3FDB];
	_ =	sdelay $0x1  }
0x99: {  	s19 =	simm.s32 $_scs_section_size  }
0x9a: {  	s4 =	simm.s32 $_size__tile_overlayer_lowered;
	s5 =	simm.s32 $_tile_overlayer_lowered  }
0x9b: {  	s22 =	simm.s32 $0x1BFF;
	s21 =	sshll.u32 s5, $0x1;
	s2 =	sadd.s32 s19, s18  }
0x9c: {  	s6 =	simm.s32 $0x0;
	s20 =	sshll.u32 s4, $0x1;
	s4 =	sadd.s32 s21, s2  }
0x9d: {  	[timem:s6], [sflag:s22] =	dma.local [hbm:s4], s20  }
0x9e: {  	_ =	swait.ge [sflag:s22], s20  }
0x9f: {  	s3 =	ssub.s32 $0x0, s20;
	[sflag:s22] =	ssyncset.done $0x0  }
0xa0: {  	[sflag:s22] =	ssyncadd.s32 s3;
	_ =	sdelay $0x1  }
0xa1: {  	s23 =	simm.s32 $0x1B8B  }
0xa2: {  	_ =	swait.ge [sflag:s23], $0x1  }
0xa3: {  	[sflag:s23] =	ssyncset.done $0x0  }
0xa4: {  	s25 =	simm.s32 $0x1B8E;
	s24 =	sld [smem:$0x3FFE];
	[sflag:s23] =	ssyncadd.s32 $0xFFFFFFFF  }
0xa5: {  	s26 =	simm.s32 $execute0_lowered;
	[smem:$0x3FD2] =	sst s25  }
0xa6: {  	s4 =	sshll.u32 s26, $0x1;
	_ =	strace $0x80000049;
	[dreg:$0x1] =	wrdreg $0xFFFFFFFF  }
0xa7: {  	s28 =	simm.s32 $_size_execute0_lowered;
	s2 =	sadd.s32 s2, s4;
	[dreg:$0x0] =	wrdreg $0x0  }
0xa8: {  	s4 =	sshll.u32 s28, $0x1;
	[dreg:$0x2] =	wrdreg s2  }
0xa9: {  	[dreg:$0x3] =	wrdreg s4  }
0xaa: {  	[dreg:$0x4] =	wrdreg $0xC0  }
0xab: {  	_ =	task [dreg:s6], $0x5FFFF  }
0xac: {  	[dreg:$0x1] =	wrdreg $0xFFFFFFFF  }
0xad: {  	[dreg:$0x0] =	wrdreg $0x60  }
0xae: {  	[dreg:$0x2] =	wrdreg s24  }
0xaf: {  	[dreg:$0x3] =	wrdreg $0x90000  }
0xb0: {  	[dreg:$0x4] =	wrdreg $0x9  }
0xb1: {  	_ =	task.clear_ibuf [dreg:s6], $0x5FFFF;
	_ =	strace $0x90000049  }
0xb2: {  	s29 =	simm.s32 $0x9;
	_ =	strace $0x8000004B  }
0xb3: {  	_ =	swait.ge [sflag:s29], $0x1  }
0xb4: {  	[sflag:s29] =	ssyncadd.s32 $0xFFFFFFFF  }
0xb5: {  	_ =	strace $0x9000004B  }
0xb6: {  	_ =	sfence  }
0xb7: {  	s30 =	sld [smem:$0x0];
	_ =	sdelay $0x2  }
0xb8: {  	s31 =	sshll.u32 s1, $0xD;
	s1 =	sshrl.u32 s1, $0x2  }
0xb9: {  	s3 =	sand.u32 $0x4000, s31;
	s1 =	sadd.s32 s1, s30  }
0xba: {  	s0 =	sor.u32 s3, s0;
	s1 =	sshll.u32 s1, $0x11  }
0xbb: {  	s0 =	sor.u32 s1, s0  }
0xbc: {  	s0 =	sadd.s32 $0x8F2B, s0  }
0xbd: {  	[sflag:s0] =	ssyncadd.remote.s32 $0x1  }
0xbe: {  	_ =	sfence.sel $0xFFFF  }
0xbf: {  	[dreg:$0x0] =	wrdreg $0xFFFFFFFF;
	(pc) =	sbr.abs _section_cstart, $3  }
0xc0: {  	[dreg:$0x1] =	wrdreg $0xFFFFFFFF  }
0xc1: {  	_ =	task.clear_ibuf [dreg:s6], $0x2FFFF;
	_ =	strace $0x9FFFFFFF  }
0xc2: {  	(tm) =	ssettm $0x7FFFFFFF  }
0xc3: {  	_ =	shalt  }
tec
execute0_lowered:
.L_overlay_start_1:
0x0: {  	(tag) =	ssettag $0x1  }
0x1: {  	s1 =	srdreg.scid;
	s6 =	rddreg [dreg:$0x0]  }
0x2: {  	s0 =	stileid.u32;
	s2 =	rddreg [dreg:$0x1];
	s3 =	simm.s32 $0x0  }
0x3: {  	s13 =	simm.s32 $0x2800;
	s14 =	simm.s32 $0x80;
	s15 =	simm.s32 $0x5000  }
0x4: {  	s16 =	simm.s32 $0x1;
	s17 =	simm.s32 $0x0;
	s7 =	sand.u32 $0x1, s1  }
0x5: {  	s26 =	sshll.u32 s0, $0x1;
	s1 =	rddreg [dreg:$0x2];
	s8 =	smul.u32 $0x2800, s0  }
0x6: {  	[smem:$0x7FF] =	sst s3;
	s11 =	smul.u32 $0x50000, s0;
	s31 =	sshll.u32 s0, $0x6  }
0x7: {  	s4 =	sor.u32 s7, s26;
	_ =	strace $0x8000004A;
	s9 =	smul.u32 $0x28000, s7  }
0x8: {  	s7 =	ssub.s32 $0x2, s7;
	s5 =	smul.u32 $0x500, s4;
	s4 =	sadd.s32 $0x17400, s6  }
0x9: {  	s28 =	sshrl.u32 s7, $0x1;
	s29 =	sshrl.u32 s11, $0x2;
	s8 =	sadd.s32 s8, s9  }
0xa: {  	s30 =	ssub.s32 s7, s28;
	s12 =	sadd.s32 s29, s2;
	s10 =	sadd.s32 s5, s6  }
0xb: {  	s5 =	sadd.s32 $0x3F400, s6;
	s9 =	sadd.s32 s8, s6;
	s6 =	sor.u32 $0x1C02, s31  }
0xc: {  	s11 =	sshrl.u32 s12, $0x3;
	s12 =	simm.s32 $0x2;
	s7 =	sadd.s32 $0x3400, s10  }
0xd: {  	s8 =	sadd.s32 $0xD400, s10;
	s9 =	sadd.s32 $0x41C00, s9;
	s10 =	smax.u32 s30, $0x1  }
.LBB2_1:
0xe: {  	[spmem:s11], [sflag:s6] =	dma.local [hbm:s5], $0x2800  }
0xf: {  	_ =	swait.ge [sflag:s12], $0x2800  }
0x10: {  	[sflag:s12] =	ssyncset.done $0x0  }
0x11: {  	[sflag:s12] =	ssyncadd.s32 $0xFFFFD800  }
0x12: {  	[tilespmem:s3], [sflag:$0x2] =	stream.linear.gather [hbm4b:s7+s3], $0x2800, $0x38;
	[tilespmem:$0x1D000] =	vst v63  }
0x13: {  	_ =	swait.ge [sflag:s12], $0x2800  }
0x14: {  	[sflag:s12] =	ssyncset.done $0x0  }
0x15: {  	[sflag:s12] =	ssyncadd.s32 $0xFFFFD800  }
0x16: {  	[tilespmem:s13], [sflag:$0x2] =	stream.linear.gather [hbm4b:s8+s3], $0x2800, $0x38;
	[tilespmem:$0x1D000] =	vst v63  }
0x17: {  	_ =	swait.ge [sflag:s12], $0x2800  }
0x18: {  	[sflag:s12] =	ssyncset.done $0x0  }
0x19: {  	[sflag:s12] =	ssyncadd.s32 $0xFFFFD800  }
0x1a: {  	s18 =	simm.s32 $0x0;
	[bflag:$0x0] =	sbarrier.arrive $0xFFFF  }
0x1b: {  	[tilespmem:s15], [sflag:$0x1] =	stream.indirect.gather [hbm4b:s4+s14], $0x80, s18, s14, $0xb8;
	[tilespmem:$0x1D000] =	vst v63  }
0x1c: {  	_ =	swait.ge [sflag:s16], $0x4000  }
0x1d: {  	[sflag:s16] =	ssyncset.done $0x0  }
0x1e: {  	s31 =	simm.s32 $0x2800;
	[sflag:s16] =	ssyncadd.s32 $0xFFFFC000  }
0x1f: {  	[spmem:s2] =	stream.indirect.scatter.add.f32 [tilespmem:s15], [sflag:$0x2], $0x80, s31, s14, $0xb8;
	[tilespmem:$0x1D000] =	vst v63  }
0x20: {  	_ =	swait.ge [sflag:s12], $0x4000  }
0x21: {  	s19 =	simm.s32 $0x400;
	s18 =	simm.s32 $0x200;
	[sflag:s12] =	ssyncset.done $0x0  }
.LBB2_2:
0x22: {  	s20 =	sshra.s32 s18, $0x2  }
0x23: {  	[sflag:s12] =	ssyncadd.s32 $0xFFFFC000;
	s18 =	smov.u32 s19;
	s21 =	sadd.s32 $0x200, s19  }
0x24: {  	[tilespmem:s15], [sflag:$0x1] =	stream.indirect.gather [hbm4b:s4+s14], $0x80, s20, s14, $0xb8;
	[tilespmem:$0x1D000] =	vst v63  }
0x25: {  	p0 =	sne.s32 s19, $0x9E00;
	_ =	swait.ge [sflag:s16], $0x4000  }
.Ltmp0:
0x26: {  	[sflag:s16] =	ssyncset.done $0x0;
	(pc) =	sbr.rel @p0 .LBB2_2-.Ltmp0, $4  }
0x27: {  	s19 =	sadd.s32 $0x2800, s20;
	[sflag:s16] =	ssyncadd.s32 $0xFFFFC000  }
0x28: {  	[spmem:s2] =	stream.indirect.scatter.add.f32 [tilespmem:s15], [sflag:$0x2], $0x80, s19, s14, $0xb8;
	[tilespmem:$0x1D000] =	vst v63  }
0x29: {  	_ =	swait.ge [sflag:s12], $0x4000  }
0x2a: {  	s19 =	smov.u32 s21;
	[sflag:s12] =	ssyncset.done $0x0  }
0x2b: {  	s18 =	sshra.s32 s18, $0x2;
	[sflag:s12] =	ssyncadd.s32 $0xFFFFC000  }
0x2c: {  	[tilespmem:s15], [sflag:$0x1] =	stream.indirect.gather [hbm4b:s4+s14], $0x80, s18, s14, $0xb8;
	[tilespmem:$0x1D000] =	vst v63  }
0x2d: {  	_ =	swait.ge [sflag:s16], $0x4000  }
0x2e: {  	[sflag:s16] =	ssyncset.done $0x0  }
0x2f: {  	s18 =	sadd.s32 $0x2800, s18;
	[sflag:s16] =	ssyncadd.s32 $0xFFFFC000  }
0x30: {  	[spmem:s2] =	stream.indirect.scatter.add.f32 [tilespmem:s15], [sflag:$0x2], $0x80, s18, s14, $0xb8;
	[tilespmem:$0x1D000] =	vst v63  }
0x31: {  	_ =	swait.ge [sflag:s12], $0x4000  }
0x32: {  	s17 =	sadd.s32 $0x1, s17;
	[sflag:s12] =	ssyncset.done $0x0  }
0x33: {  	p0 =	sne.s32 s17, s10;
	[sflag:s12] =	ssyncadd.s32 $0xFFFFC000  }
.Ltmp1:
0x34: {  	[bflag:$0x0] =	sbarrier.arrive $0xFFFF;
	(pc) =	sbr.rel @p0 .LBB2_1-.Ltmp1, $4  }
0x35: {  	[hbm:s9], [sflag:s6] =	dma.local [spmem:s11], $0x2800  }
0x36: {  	_ =	swait.ge [sflag:s12], $0x2800  }
0x37: {  	[sflag:s12] =	ssyncset.done $0x0  }
0x38: {  	[sflag:s12] =	ssyncadd.s32 $0xFFFFD800  }
0x39: {  	_ =	sfence.sel $0x180000  }
0x3a: {  	[bflag:$0x0] =	sbarrier.arrive $0xFFFF  }
0x3b: {  	p0 =	sne.s32 s0, $0x0;
	_ =	strace $0x9000004A  }
0x3c: {  	s0 =	sadd.s32 @!p0 $0x100000, s1;
	[bflag:$0x2] =	sbarrier.arrive $0xFFFF  }
0x3d: {  	[sflag:s0] =	ssyncadd.tile.s32 @!p0 $0x1;
	_ =	shalt  }
.Lfunc_end2:
_tile_overlayer_lowered:
.L_overlay_start_2:
0x3e: {  	(tag) =	ssettag $0x2  }
0x3f: {  	s0 =	rddreg [dreg:$0x0];
	s2 =	stileid.u32  }
0x40: {  	s1 =	rddreg [dreg:$0x1];
	p0 =	sne.s32 s2, $0x0  }
0x41: {  	s3 =	rddreg [dreg:$0x2];
	[bflag:$0x3] =	sbarrier.arrive $0xFFFF;
	s2 =	simm.s32 @!p0 $0x1C02  }
0x42: {  	[timem:s3], [sflag:s2] =	dma.local @!p0 [hbm:s0], s1  }
0x43: {  	s0 =	simm.s32 @!p0 $0x2  }
0x44: {  	_ =	swait.ge @!p0 [sflag:s0], s1  }
0x45: {  	s1 =	ssub.s32 @!p0 $0x0, s1;
	[sflag:s0] =	ssyncset.done @!p0 $0x0  }
0x46: {  	[sflag:s0] =	ssyncadd.s32 @!p0 s1  }
0x47: {  	[bflag:$0x3] =	sbarrier.arrive $0xFFFF  }
0x48: {  	_ =	shalt  }

// kernel: kernel.14.cloned.1.call-start
scs
__scs_entry_jumppad:
0x0: {  	(pc) =	sbr.rel $0x88, $3  }
0x1: {  	(tag) =	ssettag $0x0;
	lr =	simm.s32 $0x1  }
0x2: {  	[smem:$0x3F95] =	sst lr;
	_ =	strace $0xD0000000  }
0x3: {  	_ = 	snop  }
0x4: {  	_ = 	snop  }
0x5: {  	_ = 	snop  }
0x6: {  	_ = 	snop  }
0x7: {  	_ = 	snop  }
__scs_overlays_trampoline_lowered:
0x8: {  	[smem:$0x3FA4] =	sst s0  }
0x9: {  	[smem:$0x3FA5] =	sst s1  }
0xa: {  	[smem:$0x3FA6] =	sst s2  }
0xb: {  	[smem:$0x3FA7] =	sst s3  }
0xc: {  	[smem:$0x3FA8] =	sst s4  }
0xd: {  	[smem:$0x3FA9] =	sst s5  }
0xe: {  	[smem:$0x3FAA] =	sst s6  }
0xf: {  	[smem:$0x3FAB] =	sst s7  }
0x10: {  	[smem:$0x3FAC] =	sst s8  }
0x11: {  	[smem:$0x3FAD] =	sst s9;
	s0 =	simm.s32 @!p0 $0x0  }
0x12: {  	s1 =	sld [smem:$0x3F93];
	s0 =	simm.s32 @p0 $0x1  }
0x13: {  	[smem:$0x3FAE] =	sst s0;
	s0 =	simm.s32 @!p1 $0x0  }
0x14: {  	s2 =	sld [smem:$0x3F92];
	s0 =	simm.s32 @p1 $0x1  }
0x15: {  	[smem:$0x3FAF] =	sst s0;
	s0 =	simm.s32 @!p2 $0x0  }
0x16: {  	s3 =	sld [smem:$0x3FDB];
	s0 =	simm.s32 @p2 $0x1  }
0x17: {  	s4 =	simm.s32 $0x1BF5;
	[smem:$0x3FB1] =	sst s0  }
0x18: {  	s0 =	sld [smem:$0x3F94];
	_ =	swait.ge [sflag:s4], $0x0  }
0x19: {  	s7 =	sld [smem:$0x3F95]  }
0x1a: {  	s8 =	sadd.s32 $0xFFFFE003, lr  }
0x1b: {  	s9 =	sadd.s32 $0xFFFFFEF7, lr;
	s5 =	simm.s32 $0xFFFFFFFF;
	p2 =	slt.u32 s8, $0xFFFFF086  }
0x1c: {  	p1 =	slt.u32 s9, $0xF7A;
	s5 =	simm.s32 @!p2 $0x0  }
0x1d: {  	s5 =	simm.s32 @p1 $0x1;
	p0 =	seq.s32 s7, s2  }
0x1e: {  	s7 =	smul.u32 @!p0 $0xF7A, s2;
	p2 =	seq.s32 @!p0 s5, $0x0  }
0x1f: {  	s9 =	smul.u32 $0xF7A, s1;
	s8 =	simm.s32 @!p0 $0x1BF5;
	p2 =	por !p2, p0  }
0x20: {  	[sflag:s8] =	ssyncset.s32 @!p0 $0xFFFFF086;
	s6 =	sadd.s32 @!p0 s3, s7;
	s7 =	simm.s32 @!p0 $0x108  }
0x21: {  	s3 =	sadd.s32 s3, s9;
	s6 =	sadd.s32 @!p0 $0x88, s6;
	s7 =	simm.s32 @p2 $0x1082  }
0x22: {  	[simem:s7], [sflag:s8] =	dma.local @!p0 [hbm:s6], $0xF7A  }
0x23: {  	s9 =	sor.u32 $0xD0000000, s2;
	s6 =	simm.s32 $0x108;
	_ =	swait.ge @!p0 [sflag:s8], $0x0  }
0x24: {  	s3 =	sadd.s32 $0x88, s3;
	s6 =	simm.s32 @!p1 $0x1082;
	[sflag:s4] =	ssyncset.s32 $0xFFFFF086  }
0x25: {  	[simem:s6], [sflag:s4] =	dma.local [hbm:s3], $0xF7A  }
0x26: {  	[smem:$0x3F95] =	sst s1;
	(tag) =	ssettag s2;
	_ =	strace s9  }
0x27: {  	s1 =	sld [smem:$0x3FA5]  }
0x28: {  	s2 =	sld [smem:$0x3FA6]  }
0x29: {  	s4 =	sld [smem:$0x3FA8]  }
0x2a: {  	p0 =	seq.s32 s5, $0x0;
	s5 =	sld [smem:$0x3FA9]  }
0x2b: {  	s6 =	sld [smem:$0x3FAA]  }
0x2c: {  	s7 =	sld [smem:$0x3FAB]  }
0x2d: {  	s3 =	simm.s32 $0x108;
	s8 =	sld [smem:$0x3FAC]  }
0x2e: {  	s3 =	simm.s32 @!p0 $0x1082;
	s9 =	sld [smem:$0x3FAD]  }
0x2f: {  	lr =	sadd.s32 s0, s3;
	s0 =	sld [smem:$0x3FA4]  }
0x30: {  	s3 =	sld [smem:$0x3FA7]  }
0x31: {  	[smem:$0x3FB0] =	sst s10  }
0x32: {  	s10 =	sld [smem:$0x3FAE];
	_ =	sdelay $0x3  }
0x33: {  	p0 =	seq.s32 s10, $0x1;
	s10 =	sld [smem:$0x3FB0];
	_ =	sdelay $0x3  }
0x34: {  	[smem:$0x3FB0] =	sst s10  }
0x35: {  	s10 =	sld [smem:$0x3FAF];
	_ =	sdelay $0x3  }
0x36: {  	p1 =	seq.s32 s10, $0x1;
	s10 =	sld [smem:$0x3FB0];
	_ =	sdelay $0x3  }
0x37: {  	[smem:$0x3FB0] =	sst s10  }
0x38: {  	s10 =	sld [smem:$0x3FB1]  }
0x39: {  	_ = 	snop;
	(pc) =	sbr.ind lr, $3  }
0x3a: {  	_ = 	snop  }
0x3b: {  	_ = 	snop  }
0x3c: {  	p2 =	seq.s32 s10, $0x1;
	s10 =	sld [smem:$0x3FB0]  }
0x3d: {  	_ =	shalt  }
0x3e: {  	_ =	shalt  }
0x3f: {  	_ =	shalt  }
0x40: {  	_ =	shalt  }
0x41: {  	_ =	shalt  }
0x42: {  	_ =	shalt  }
0x43: {  	_ =	shalt  }
0x44: {  	_ =	shalt  }
0x45: {  	_ =	shalt  }
0x46: {  	_ =	shalt  }
0x47: {  	_ =	shalt  }
0x48: {  	_ =	shalt  }
0x49: {  	_ =	shalt  }
0x4a: {  	_ =	shalt  }
0x4b: {  	_ =	shalt  }
0x4c: {  	_ =	shalt  }
0x4d: {  	_ =	shalt  }
0x4e: {  	_ =	shalt  }
0x4f: {  	_ =	shalt  }
0x50: {  	_ =	shalt  }
0x51: {  	_ =	shalt  }
0x52: {  	_ =	shalt  }
0x53: {  	_ =	shalt  }
0x54: {  	_ =	shalt  }
0x55: {  	_ =	shalt  }
0x56: {  	_ =	shalt  }
0x57: {  	_ =	shalt  }
0x58: {  	_ =	shalt  }
0x59: {  	_ =	shalt  }
0x5a: {  	_ =	shalt  }
0x5b: {  	_ =	shalt  }
0x5c: {  	_ =	shalt  }
0x5d: {  	_ =	shalt  }
0x5e: {  	_ =	shalt  }
0x5f: {  	_ =	shalt  }
0x60: {  	_ =	shalt  }
0x61: {  	_ =	shalt  }
0x62: {  	_ =	shalt  }
0x63: {  	_ =	shalt  }
0x64: {  	_ =	shalt  }
0x65: {  	_ =	shalt  }
0x66: {  	_ =	shalt  }
0x67: {  	_ =	shalt  }
0x68: {  	_ =	shalt  }
0x69: {  	_ =	shalt  }
0x6a: {  	_ =	shalt  }
0x6b: {  	_ =	shalt  }
0x6c: {  	_ =	shalt  }
0x6d: {  	_ =	shalt  }
0x6e: {  	_ =	shalt  }
0x6f: {  	_ =	shalt  }
0x70: {  	_ =	shalt  }
0x71: {  	_ =	shalt  }
0x72: {  	_ =	shalt  }
0x73: {  	_ =	shalt  }
0x74: {  	_ =	shalt  }
0x75: {  	_ =	shalt  }
0x76: {  	_ =	shalt  }
0x77: {  	_ =	shalt  }
0x78: {  	_ =	shalt  }
0x79: {  	_ =	shalt  }
0x7a: {  	_ =	shalt  }
0x7b: {  	_ =	shalt  }
0x7c: {  	_ =	shalt  }
0x7d: {  	_ =	shalt  }
0x7e: {  	_ =	shalt  }
0x7f: {  	_ =	shalt  }
0x80: {  	_ =	shalt  }
0x81: {  	_ =	shalt  }
0x82: {  	_ =	shalt  }
0x83: {  	_ =	shalt  }
0x84: {  	_ =	shalt  }
0x85: {  	_ =	shalt  }
0x86: {  	_ =	shalt  }
0x87: {  	_ =	shalt  }
.Lfunc_end0:
.L_simem_size_0:
called_computation.2_lowered:
.L_overlay_start_0:
0x88: {  	s2 =	sld [smem:$0x3FD9]  }
0x89: {  	s3 =	sld [smem:$0x3FFE];
	_ =	sdelay $0x1  }
0x8a: {  	s1 =	srdreg.scid  }
0x8b: {  	s0 =	sand.u32 $0x1, s1  }
0x8c: {  	s16 =	sshll.u32 s0, $0xA;
	s2 =	sadd.s32 s3, s2  }
0x8d: {  	s2 =	sadd.s32 s2, s16  }
0x8e: {  	[smem:$0x3FBC] =	sst s2  }
0x8f: {  	_ = 	snop  }
0x90: {  	(tm) =	ssettm $0x1  }
0x91: {  	s17 =	sld [smem:$0x3FFB];
	_ =	sdelay $0x3  }
0x92: {  	_ =	strace s17  }
0x93: {  	s2 =	sld [smem:$0x3FFC];
	_ =	sdelay $0x3  }
0x94: {  	_ =	strace s2  }
0x95: {  	s2 =	sld [smem:$0x3FFD];
	_ =	sdelay $0x3  }
0x96: {  	_ =	strace s2  }
0x97: {  	_ =	strace $0x8FFFFFFF  }
0x98: {  	s18 =	sld [smem:$0x3FDB];
	_ =	sdelay $0x1  }
0x99: {  	s19 =	simm.s32 $_scs_section_size  }
0x9a: {  	s4 =	simm.s32 $_size__tile_overlayer_lowered;
	s5 =	simm.s32 $_tile_overlayer_lowered  }
0x9b: {  	s22 =	simm.s32 $0x1BFF;
	s21 =	sshll.u32 s5, $0x1;
	s2 =	sadd.s32 s19, s18  }
0x9c: {  	s6 =	simm.s32 $0x0;
	s20 =	sshll.u32 s4, $0x1;
	s4 =	sadd.s32 s21, s2  }
0x9d: {  	[timem:s6], [sflag:s22] =	dma.local [hbm:s4], s20  }
0x9e: {  	_ =	swait.ge [sflag:s22], s20  }
0x9f: {  	s3 =	ssub.s32 $0x0, s20;
	[sflag:s22] =	ssyncset.done $0x0  }
0xa0: {  	[sflag:s22] =	ssyncadd.s32 s3;
	_ =	sdelay $0x1  }
0xa1: {  	s23 =	simm.s32 $0x1B8B  }
0xa2: {  	_ =	swait.ge [sflag:s23], $0x1  }
0xa3: {  	[sflag:s23] =	ssyncset.done $0x0  }
0xa4: {  	s25 =	simm.s32 $0x1B8E;
	s24 =	sld [smem:$0x3FFE];
	[sflag:s23] =	ssyncadd.s32 $0xFFFFFFFF  }
0xa5: {  	s26 =	simm.s32 $execute0_lowered;
	[smem:$0x3FD2] =	sst s25  }
0xa6: {  	s4 =	sshll.u32 s26, $0x1;
	_ =	strace $0x8000004C;
	[dreg:$0x1] =	wrdreg $0xFFFFFFFF  }
0xa7: {  	s28 =	simm.s32 $_size_execute0_lowered;
	s2 =	sadd.s32 s2, s4;
	[dreg:$0x0] =	wrdreg $0x0  }
0xa8: {  	s4 =	sshll.u32 s28, $0x1;
	[dreg:$0x2] =	wrdreg s2  }
0xa9: {  	[dreg:$0x3] =	wrdreg s4  }
0xaa: {  	[dreg:$0x4] =	wrdreg $0xC0  }
0xab: {  	_ =	task [dreg:s6], $0x5FFFF  }
0xac: {  	[dreg:$0x1] =	wrdreg $0xFFFFFFFF  }
0xad: {  	[dreg:$0x0] =	wrdreg $0x60  }
0xae: {  	[dreg:$0x2] =	wrdreg s24  }
0xaf: {  	[dreg:$0x3] =	wrdreg $0x90000  }
0xb0: {  	[dreg:$0x4] =	wrdreg $0x9  }
0xb1: {  	_ =	task.clear_ibuf [dreg:s6], $0x5FFFF;
	_ =	strace $0x9000004C  }
0xb2: {  	s29 =	simm.s32 $0x9;
	_ =	strace $0x8000004E  }
0xb3: {  	_ =	swait.ge [sflag:s29], $0x1  }
0xb4: {  	[sflag:s29] =	ssyncadd.s32 $0xFFFFFFFF  }
0xb5: {  	_ =	strace $0x9000004E  }
0xb6: {  	_ =	sfence  }
0xb7: {  	s30 =	sld [smem:$0x0];
	_ =	sdelay $0x2  }
0xb8: {  	s31 =	sshll.u32 s1, $0xD;
	s1 =	sshrl.u32 s1, $0x2  }
0xb9: {  	s3 =	sand.u32 $0x4000, s31;
	s1 =	sadd.s32 s1, s30  }
0xba: {  	s0 =	sor.u32 s3, s0;
	s1 =	sshll.u32 s1, $0x11  }
0xbb: {  	s0 =	sor.u32 s1, s0  }
0xbc: {  	s0 =	sadd.s32 $0x8F2B, s0  }
0xbd: {  	[sflag:s0] =	ssyncadd.remote.s32 $0x1  }
0xbe: {  	_ =	sfence.sel $0xFFFF  }
0xbf: {  	[dreg:$0x0] =	wrdreg $0xFFFFFFFF;
	(pc) =	sbr.abs _section_cstart, $3  }
0xc0: {  	[dreg:$0x1] =	wrdreg $0xFFFFFFFF  }
0xc1: {  	_ =	task.clear_ibuf [dreg:s6], $0x2FFFF;
	_ =	strace $0x9FFFFFFF  }
0xc2: {  	(tm) =	ssettm $0x7FFFFFFF  }
0xc3: {  	_ =	shalt  }
tec
execute0_lowered:
.L_overlay_start_1:
0x0: {  	(tag) =	ssettag $0x1  }
0x1: {  	s1 =	srdreg.scid;
	s6 =	rddreg [dreg:$0x0]  }
0x2: {  	s0 =	stileid.u32;
	s2 =	rddreg [dreg:$0x1];
	s3 =	simm.s32 $0x0  }
0x3: {  	s13 =	simm.s32 $0x2800;
	s14 =	simm.s32 $0x80;
	s15 =	simm.s32 $0x5000  }
0x4: {  	s16 =	simm.s32 $0x1;
	s17 =	simm.s32 $0x0;
	s7 =	sand.u32 $0x1, s1  }
0x5: {  	s26 =	sshll.u32 s0, $0x1;
	s1 =	rddreg [dreg:$0x2];
	s8 =	smul.u32 $0x2800, s0  }
0x6: {  	[smem:$0x7FF] =	sst s3;
	s11 =	smul.u32 $0x50000, s0;
	s31 =	sshll.u32 s0, $0x6  }
0x7: {  	s4 =	sor.u32 s7, s26;
	_ =	strace $0x8000004D;
	s9 =	smul.u32 $0x28000, s7  }
0x8: {  	s7 =	ssub.s32 $0x2, s7;
	s5 =	smul.u32 $0x500, s4;
	s4 =	sadd.s32 $0x17400, s6  }
0x9: {  	s28 =	sshrl.u32 s7, $0x1;
	s29 =	sshrl.u32 s11, $0x2;
	s8 =	sadd.s32 s8, s9  }
0xa: {  	s30 =	ssub.s32 s7, s28;
	s12 =	sadd.s32 s29, s2;
	s10 =	sadd.s32 s5, s6  }
0xb: {  	s5 =	sadd.s32 $0x3F400, s6;
	s9 =	sadd.s32 s8, s6;
	s6 =	sor.u32 $0x1C02, s31  }
0xc: {  	s11 =	sshrl.u32 s12, $0x3;
	s12 =	simm.s32 $0x2;
	s7 =	sadd.s32 $0x3400, s10  }
0xd: {  	s8 =	sadd.s32 $0xD400, s10;
	s9 =	sadd.s32 $0x41C00, s9;
	s10 =	smax.u32 s30, $0x1  }
.LBB2_1:
0xe: {  	[spmem:s11], [sflag:s6] =	dma.local [hbm:s5], $0x2800  }
0xf: {  	_ =	swait.ge [sflag:s12], $0x2800  }
0x10: {  	[sflag:s12] =	ssyncset.done $0x0  }
0x11: {  	[sflag:s12] =	ssyncadd.s32 $0xFFFFD800  }
0x12: {  	[tilespmem:s3], [sflag:$0x2] =	stream.linear.gather [hbm4b:s7+s3], $0x2800, $0x38;
	[tilespmem:$0x1D000] =	vst v63  }
0x13: {  	_ =	swait.ge [sflag:s12], $0x2800  }
0x14: {  	[sflag:s12] =	ssyncset.done $0x0  }
0x15: {  	[sflag:s12] =	ssyncadd.s32 $0xFFFFD800  }
0x16: {  	[tilespmem:s13], [sflag:$0x2] =	stream.linear.gather [hbm4b:s8+s3], $0x2800, $0x38;
	[tilespmem:$0x1D000] =	vst v63  }
0x17: {  	_ =	swait.ge [sflag:s12], $0x2800  }
0x18: {  	[sflag:s12] =	ssyncset.done $0x0  }
0x19: {  	[sflag:s12] =	ssyncadd.s32 $0xFFFFD800  }
0x1a: {  	s18 =	simm.s32 $0x0;
	[bflag:$0x0] =	sbarrier.arrive $0xFFFF  }
0x1b: {  	[tilespmem:s15], [sflag:$0x1] =	stream.indirect.gather [hbm4b:s4+s14], $0x80, s18, s14, $0xb8;
	[tilespmem:$0x1D000] =	vst v63  }
0x1c: {  	_ =	swait.ge [sflag:s16], $0x4000  }
0x1d: {  	[sflag:s16] =	ssyncset.done $0x0  }
0x1e: {  	s31 =	simm.s32 $0x2800;
	[sflag:s16] =	ssyncadd.s32 $0xFFFFC000  }
0x1f: {  	[spmem:s2] =	stream.indirect.scatter.add.f32 [tilespmem:s15], [sflag:$0x2], $0x80, s31, s14, $0xb8;
	[tilespmem:$0x1D000] =	vst v63  }
0x20: {  	_ =	swait.ge [sflag:s12], $0x4000  }
0x21: {  	s19 =	simm.s32 $0x400;
	s18 =	simm.s32 $0x200;
	[sflag:s12] =	ssyncset.done $0x0  }
.LBB2_2:
0x22: {  	s20 =	sshra.s32 s18, $0x2  }
0x23: {  	[sflag:s12] =	ssyncadd.s32 $0xFFFFC000;
	s18 =	smov.u32 s19;
	s21 =	sadd.s32 $0x200, s19  }
0x24: {  	[tilespmem:s15], [sflag:$0x1] =	stream.indirect.gather [hbm4b:s4+s14], $0x80, s20, s14, $0xb8;
	[tilespmem:$0x1D000] =	vst v63  }
0x25: {  	p0 =	sne.s32 s19, $0x9E00;
	_ =	swait.ge [sflag:s16], $0x4000  }
.Ltmp0:
0x26: {  	[sflag:s16] =	ssyncset.done $0x0;
	(pc) =	sbr.rel @p0 .LBB2_2-.Ltmp0, $4  }
0x27: {  	s19 =	sadd.s32 $0x2800, s20;
	[sflag:s16] =	ssyncadd.s32 $0xFFFFC000  }
0x28: {  	[spmem:s2] =	stream.indirect.scatter.add.f32 [tilespmem:s15], [sflag:$0x2], $0x80, s19, s14, $0xb8;
	[tilespmem:$0x1D000] =	vst v63  }
0x29: {  	_ =	swait.ge [sflag:s12], $0x4000  }
0x2a: {  	s19 =	smov.u32 s21;
	[sflag:s12] =	ssyncset.done $0x0  }
0x2b: {  	s18 =	sshra.s32 s18, $0x2;
	[sflag:s12] =	ssyncadd.s32 $0xFFFFC000  }
0x2c: {  	[tilespmem:s15], [sflag:$0x1] =	stream.indirect.gather [hbm4b:s4+s14], $0x80, s18, s14, $0xb8;
	[tilespmem:$0x1D000] =	vst v63  }
0x2d: {  	_ =	swait.ge [sflag:s16], $0x4000  }
0x2e: {  	[sflag:s16] =	ssyncset.done $0x0  }
0x2f: {  	s18 =	sadd.s32 $0x2800, s18;
	[sflag:s16] =	ssyncadd.s32 $0xFFFFC000  }
0x30: {  	[spmem:s2] =	stream.indirect.scatter.add.f32 [tilespmem:s15], [sflag:$0x2], $0x80, s18, s14, $0xb8;
	[tilespmem:$0x1D000] =	vst v63  }
0x31: {  	_ =	swait.ge [sflag:s12], $0x4000  }
0x32: {  	s17 =	sadd.s32 $0x1, s17;
	[sflag:s12] =	ssyncset.done $0x0  }
0x33: {  	p0 =	sne.s32 s17, s10;
	[sflag:s12] =	ssyncadd.s32 $0xFFFFC000  }
.Ltmp1:
0x34: {  	[bflag:$0x0] =	sbarrier.arrive $0xFFFF;
	(pc) =	sbr.rel @p0 .LBB2_1-.Ltmp1, $4  }
0x35: {  	[hbm:s9], [sflag:s6] =	dma.local [spmem:s11], $0x2800  }
0x36: {  	_ =	swait.ge [sflag:s12], $0x2800  }
0x37: {  	[sflag:s12] =	ssyncset.done $0x0  }
0x38: {  	[sflag:s12] =	ssyncadd.s32 $0xFFFFD800  }
0x39: {  	_ =	sfence.sel $0x180000  }
0x3a: {  	[bflag:$0x0] =	sbarrier.arrive $0xFFFF  }
0x3b: {  	p0 =	sne.s32 s0, $0x0;
	_ =	strace $0x9000004D  }
0x3c: {  	s0 =	sadd.s32 @!p0 $0x100000, s1;
	[bflag:$0x2] =	sbarrier.arrive $0xFFFF  }
0x3d: {  	[sflag:s0] =	ssyncadd.tile.s32 @!p0 $0x1;
	_ =	shalt  }
.Lfunc_end2:
_tile_overlayer_lowered:
.L_overlay_start_2:
0x3e: {  	(tag) =	ssettag $0x2  }
0x3f: {  	s0 =	rddreg [dreg:$0x0];
	s2 =	stileid.u32  }
0x40: {  	s1 =	rddreg [dreg:$0x1];
	p0 =	sne.s32 s2, $0x0  }
0x41: {  	s3 =	rddreg [dreg:$0x2];
	[bflag:$0x3] =	sbarrier.arrive $0xFFFF;
	s2 =	simm.s32 @!p0 $0x1C02  }
0x42: {  	[timem:s3], [sflag:s2] =	dma.local @!p0 [hbm:s0], s1  }
0x43: {  	s0 =	simm.s32 @!p0 $0x2  }
0x44: {  	_ =	swait.ge @!p0 [sflag:s0], s1  }
0x45: {  	s1 =	ssub.s32 @!p0 $0x0, s1;
	[sflag:s0] =	ssyncset.done @!p0 $0x0  }
0x46: {  	[sflag:s0] =	ssyncadd.s32 @!p0 s1  }
0x47: {  	[bflag:$0x3] =	sbarrier.arrive $0xFFFF  }
0x48: {  	_ =	shalt  }

// kernel: kernel.8.cloned.1.call-start
scs
__scs_entry_jumppad:
0x0: {  	(pc) =	sbr.rel $0x88, $3  }
0x1: {  	(tag) =	ssettag $0x0;
	lr =	simm.s32 $0x1  }
0x2: {  	[smem:$0x3F95] =	sst lr;
	_ =	strace $0xD0000000  }
0x3: {  	_ = 	snop  }
0x4: {  	_ = 	snop  }
0x5: {  	_ = 	snop  }
0x6: {  	_ = 	snop  }
0x7: {  	_ = 	snop  }
__scs_overlays_trampoline_lowered:
0x8: {  	[smem:$0x3FA4] =	sst s0  }
0x9: {  	[smem:$0x3FA5] =	sst s1  }
0xa: {  	[smem:$0x3FA6] =	sst s2  }
0xb: {  	[smem:$0x3FA7] =	sst s3  }
0xc: {  	[smem:$0x3FA8] =	sst s4  }
0xd: {  	[smem:$0x3FA9] =	sst s5  }
0xe: {  	[smem:$0x3FAA] =	sst s6  }
0xf: {  	[smem:$0x3FAB] =	sst s7  }
0x10: {  	[smem:$0x3FAC] =	sst s8  }
0x11: {  	[smem:$0x3FAD] =	sst s9;
	s0 =	simm.s32 @!p0 $0x0  }
0x12: {  	s1 =	sld [smem:$0x3F93];
	s0 =	simm.s32 @p0 $0x1  }
0x13: {  	[smem:$0x3FAE] =	sst s0;
	s0 =	simm.s32 @!p1 $0x0  }
0x14: {  	s2 =	sld [smem:$0x3F92];
	s0 =	simm.s32 @p1 $0x1  }
0x15: {  	[smem:$0x3FAF] =	sst s0;
	s0 =	simm.s32 @!p2 $0x0  }
0x16: {  	s3 =	sld [smem:$0x3FDB];
	s0 =	simm.s32 @p2 $0x1  }
0x17: {  	s4 =	simm.s32 $0x1BF5;
	[smem:$0x3FB1] =	sst s0  }
0x18: {  	s0 =	sld [smem:$0x3F94];
	_ =	swait.ge [sflag:s4], $0x0  }
0x19: {  	s7 =	sld [smem:$0x3F95]  }
0x1a: {  	s8 =	sadd.s32 $0xFFFFE003, lr  }
0x1b: {  	s9 =	sadd.s32 $0xFFFFFEF7, lr;
	s5 =	simm.s32 $0xFFFFFFFF;
	p2 =	slt.u32 s8, $0xFFFFF086  }
0x1c: {  	p1 =	slt.u32 s9, $0xF7A;
	s5 =	simm.s32 @!p2 $0x0  }
0x1d: {  	s5 =	simm.s32 @p1 $0x1;
	p0 =	seq.s32 s7, s2  }
0x1e: {  	s7 =	smul.u32 @!p0 $0xF7A, s2;
	p2 =	seq.s32 @!p0 s5, $0x0  }
0x1f: {  	s9 =	smul.u32 $0xF7A, s1;
	s8 =	simm.s32 @!p0 $0x1BF5;
	p2 =	por !p2, p0  }
0x20: {  	[sflag:s8] =	ssyncset.s32 @!p0 $0xFFFFF086;
	s6 =	sadd.s32 @!p0 s3, s7;
	s7 =	simm.s32 @!p0 $0x108  }
0x21: {  	s3 =	sadd.s32 s3, s9;
	s6 =	sadd.s32 @!p0 $0x88, s6;
	s7 =	simm.s32 @p2 $0x1082  }
0x22: {  	[simem:s7], [sflag:s8] =	dma.local @!p0 [hbm:s6], $0xF7A  }
0x23: {  	s9 =	sor.u32 $0xD0000000, s2;
	s6 =	simm.s32 $0x108;
	_ =	swait.ge @!p0 [sflag:s8], $0x0  }
0x24: {  	s3 =	sadd.s32 $0x88, s3;
	s6 =	simm.s32 @!p1 $0x1082;
	[sflag:s4] =	ssyncset.s32 $0xFFFFF086  }
0x25: {  	[simem:s6], [sflag:s4] =	dma.local [hbm:s3], $0xF7A  }
0x26: {  	[smem:$0x3F95] =	sst s1;
	(tag) =	ssettag s2;
	_ =	strace s9  }
0x27: {  	s1 =	sld [smem:$0x3FA5]  }
0x28: {  	s2 =	sld [smem:$0x3FA6]  }
0x29: {  	s4 =	sld [smem:$0x3FA8]  }
0x2a: {  	p0 =	seq.s32 s5, $0x0;
	s5 =	sld [smem:$0x3FA9]  }
0x2b: {  	s6 =	sld [smem:$0x3FAA]  }
0x2c: {  	s7 =	sld [smem:$0x3FAB]  }
0x2d: {  	s3 =	simm.s32 $0x108;
	s8 =	sld [smem:$0x3FAC]  }
0x2e: {  	s3 =	simm.s32 @!p0 $0x1082;
	s9 =	sld [smem:$0x3FAD]  }
0x2f: {  	lr =	sadd.s32 s0, s3;
	s0 =	sld [smem:$0x3FA4]  }
0x30: {  	s3 =	sld [smem:$0x3FA7]  }
0x31: {  	[smem:$0x3FB0] =	sst s10  }
0x32: {  	s10 =	sld [smem:$0x3FAE];
	_ =	sdelay $0x3  }
0x33: {  	p0 =	seq.s32 s10, $0x1;
	s10 =	sld [smem:$0x3FB0];
	_ =	sdelay $0x3  }
0x34: {  	[smem:$0x3FB0] =	sst s10  }
0x35: {  	s10 =	sld [smem:$0x3FAF];
	_ =	sdelay $0x3  }
0x36: {  	p1 =	seq.s32 s10, $0x1;
	s10 =	sld [smem:$0x3FB0];
	_ =	sdelay $0x3  }
0x37: {  	[smem:$0x3FB0] =	sst s10  }
0x38: {  	s10 =	sld [smem:$0x3FB1]  }
0x39: {  	_ = 	snop;
	(pc) =	sbr.ind lr, $3  }
0x3a: {  	_ = 	snop  }
0x3b: {  	_ = 	snop  }
0x3c: {  	p2 =	seq.s32 s10, $0x1;
	s10 =	sld [smem:$0x3FB0]  }
0x3d: {  	_ =	shalt  }
0x3e: {  	_ =	shalt  }
0x3f: {  	_ =	shalt  }
0x40: {  	_ =	shalt  }
0x41: {  	_ =	shalt  }
0x42: {  	_ =	shalt  }
0x43: {  	_ =	shalt  }
0x44: {  	_ =	shalt  }
0x45: {  	_ =	shalt  }
0x46: {  	_ =	shalt  }
0x47: {  	_ =	shalt  }
0x48: {  	_ =	shalt  }
0x49: {  	_ =	shalt  }
0x4a: {  	_ =	shalt  }
0x4b: {  	_ =	shalt  }
0x4c: {  	_ =	shalt  }
0x4d: {  	_ =	shalt  }
0x4e: {  	_ =	shalt  }
0x4f: {  	_ =	shalt  }
0x50: {  	_ =	shalt  }
0x51: {  	_ =	shalt  }
0x52: {  	_ =	shalt  }
0x53: {  	_ =	shalt  }
0x54: {  	_ =	shalt  }
0x55: {  	_ =	shalt  }
0x56: {  	_ =	shalt  }
0x57: {  	_ =	shalt  }
0x58: {  	_ =	shalt  }
0x59: {  	_ =	shalt  }
0x5a: {  	_ =	shalt  }
0x5b: {  	_ =	shalt  }
0x5c: {  	_ =	shalt  }
0x5d: {  	_ =	shalt  }
0x5e: {  	_ =	shalt  }
0x5f: {  	_ =	shalt  }
0x60: {  	_ =	shalt  }
0x61: {  	_ =	shalt  }
0x62: {  	_ =	shalt  }
0x63: {  	_ =	shalt  }
0x64: {  	_ =	shalt  }
0x65: {  	_ =	shalt  }
0x66: {  	_ =	shalt  }
0x67: {  	_ =	shalt  }
0x68: {  	_ =	shalt  }
0x69: {  	_ =	shalt  }
0x6a: {  	_ =	shalt  }
0x6b: {  	_ =	shalt  }
0x6c: {  	_ =	shalt  }
0x6d: {  	_ =	shalt  }
0x6e: {  	_ =	shalt  }
0x6f: {  	_ =	shalt  }
0x70: {  	_ =	shalt  }
0x71: {  	_ =	shalt  }
0x72: {  	_ =	shalt  }
0x73: {  	_ =	shalt  }
0x74: {  	_ =	shalt  }
0x75: {  	_ =	shalt  }
0x76: {  	_ =	shalt  }
0x77: {  	_ =	shalt  }
0x78: {  	_ =	shalt  }
0x79: {  	_ =	shalt  }
0x7a: {  	_ =	shalt  }
0x7b: {  	_ =	shalt  }
0x7c: {  	_ =	shalt  }
0x7d: {  	_ =	shalt  }
0x7e: {  	_ =	shalt  }
0x7f: {  	_ =	shalt  }
0x80: {  	_ =	shalt  }
0x81: {  	_ =	shalt  }
0x82: {  	_ =	shalt  }
0x83: {  	_ =	shalt  }
0x84: {  	_ =	shalt  }
0x85: {  	_ =	shalt  }
0x86: {  	_ =	shalt  }
0x87: {  	_ =	shalt  }
.Lfunc_end0:
.L_simem_size_0:
called_computation_lowered:
.L_overlay_start_0:
0x88: {  	s2 =	sld [smem:$0x3FD9]  }
0x89: {  	s3 =	sld [smem:$0x3FFE];
	_ =	sdelay $0x1  }
0x8a: {  	s1 =	srdreg.scid  }
0x8b: {  	s0 =	sand.u32 $0x1, s1  }
0x8c: {  	s17 =	sshll.u32 s0, $0xA;
	s2 =	sadd.s32 s3, s2  }
0x8d: {  	s2 =	sadd.s32 s2, s17  }
0x8e: {  	[smem:$0x3FBC] =	sst s2  }
0x8f: {  	_ = 	snop  }
0x90: {  	s2 =	sld [smem:$0x3FD0];
	(tm) =	ssettm $0x1  }
0x91: {  	s18 =	sld [smem:$0x3FFB];
	_ =	sdelay $0x3  }
0x92: {  	_ =	strace s18  }
0x93: {  	s3 =	sld [smem:$0x3FFC];
	_ =	sdelay $0x3  }
0x94: {  	_ =	strace s3  }
0x95: {  	s3 =	sld [smem:$0x3FFD];
	_ =	sdelay $0x3  }
0x96: {  	_ =	strace s3  }
0x97: {  	_ =	strace $0x8FFFFFFF  }
0x98: {  	s19 =	sld [smem:$0x3FDB];
	_ =	sdelay $0x1  }
0x99: {  	s4 =	simm.s32 $_scs_section_size  }
0x9a: {  	s5 =	simm.s32 $_size__tile_overlayer_lowered;
	s6 =	simm.s32 $_tile_overlayer_lowered  }
0x9b: {  	s22 =	simm.s32 $0x1BFF;
	s21 =	sshll.u32 s6, $0x1;
	s3 =	sadd.s32 s4, s19  }
0x9c: {  	s7 =	simm.s32 $0x0;
	s20 =	sshll.u32 s5, $0x1;
	s5 =	sadd.s32 s21, s3  }
0x9d: {  	[timem:s7], [sflag:s22] =	dma.local [hbm:s5], s20  }
0x9e: {  	_ =	swait.ge [sflag:s22], s20  }
0x9f: {  	s4 =	ssub.s32 $0x0, s20;
	[sflag:s22] =	ssyncset.done $0x0  }
0xa0: {  	[sflag:s22] =	ssyncadd.s32 s4;
	_ =	sdelay $0x1  }
0xa1: {  	s23 =	simm.s32 $0x1B8B  }
0xa2: {  	_ =	swait.ge [sflag:s23], $0x1  }
0xa3: {  	[sflag:s23] =	ssyncset.done $0x0  }
0xa4: {  	s25 =	simm.s32 $0x1B8E;
	s24 =	sld [smem:$0x3FFE];
	[sflag:s23] =	ssyncadd.s32 $0xFFFFFFFF  }
0xa5: {  	s26 =	simm.s32 $execute0_lowered;
	[smem:$0x3FD2] =	sst s25  }
0xa6: {  	s5 =	sshll.u32 s26, $0x1;
	_ =	strace $0x80000046;
	[dreg:$0x1] =	wrdreg $0xFFFFFFFF  }
0xa7: {  	s28 =	simm.s32 $_size_execute0_lowered;
	s3 =	sadd.s32 s3, s5;
	[dreg:$0x0] =	wrdreg $0x0  }
0xa8: {  	s5 =	sshll.u32 s28, $0x1;
	[dreg:$0x2] =	wrdreg s3  }
0xa9: {  	[dreg:$0x3] =	wrdreg s5  }
0xaa: {  	[dreg:$0x4] =	wrdreg $0xC0  }
0xab: {  	_ =	task [dreg:s7], $0x5FFFF  }
0xac: {  	[dreg:$0x1] =	wrdreg $0xFFFFFFFF  }
0xad: {  	[dreg:$0x0] =	wrdreg $0x60  }
0xae: {  	[dreg:$0x2] =	wrdreg s24  }
0xaf: {  	[dreg:$0x3] =	wrdreg s2  }
0xb0: {  	[dreg:$0x4] =	wrdreg $0x90000  }
0xb1: {  	[dreg:$0x5] =	wrdreg $0x1D0800  }
0xb2: {  	[dreg:$0x6] =	wrdreg $0x9  }
0xb3: {  	_ =	task.clear_ibuf [dreg:s7], $0x7FFFF;
	_ =	strace $0x90000046  }
0xb4: {  	s29 =	simm.s32 $0x9;
	_ =	strace $0x80000048  }
0xb5: {  	_ =	swait.ge [sflag:s29], $0x1  }
0xb6: {  	[sflag:s29] =	ssyncadd.s32 $0xFFFFFFFF  }
0xb7: {  	_ =	strace $0x90000048  }
0xb8: {  	_ =	sfence  }
0xb9: {  	s30 =	sld [smem:$0x0];
	_ =	sdelay $0x2  }
0xba: {  	s31 =	sshll.u32 s1, $0xD;
	s1 =	sshrl.u32 s1, $0x2  }
0xbb: {  	s3 =	sand.u32 $0x4000, s31;
	s1 =	sadd.s32 s1, s30  }
0xbc: {  	s0 =	sor.u32 s3, s0;
	s1 =	sshll.u32 s1, $0x11  }
0xbd: {  	s0 =	sor.u32 s1, s0  }
0xbe: {  	s0 =	sadd.s32 $0x8F2B, s0  }
0xbf: {  	[sflag:s0] =	ssyncadd.remote.s32 $0x1  }
0xc0: {  	_ =	sfence.sel $0xFFFF  }
0xc1: {  	[dreg:$0x0] =	wrdreg $0xFFFFFFFF;
	(pc) =	sbr.abs _section_cstart, $3  }
0xc2: {  	[dreg:$0x1] =	wrdreg $0xFFFFFFFF  }
0xc3: {  	_ =	task.clear_ibuf [dreg:s7], $0x2FFFF;
	_ =	strace $0x9FFFFFFF  }
0xc4: {  	(tm) =	ssettm $0x7FFFFFFF  }
0xc5: {  	_ =	shalt  }
tec
execute0_lowered:
.L_overlay_start_1:
0x0: {  	(tag) =	ssettag $0x1  }
0x1: {  	s8 =	rddreg [dreg:$0x0]  }
0x2: {  	s2 =	srdreg.scid;
	s1 =	rddreg [dreg:$0x1]  }
0x3: {  	s0 =	stileid.u32;
	s3 =	rddreg [dreg:$0x2]  }
0x4: {  	s4 =	rddreg [dreg:$0x3];
	s5 =	simm.s32 $0x0;
	s19 =	simm.s32 $0x5000  }
0x5: {  	s20 =	simm.s32 $0x1;
	s21 =	simm.s32 $0x1D000;
	s22 =	simm.s32 $0x0  }
0x6: {  	s9 =	sand.u32 $0x1, s2;
	s28 =	sshll.u32 s0, $0x1;
	s11 =	smul.u32 $0x280, s0  }
0x7: {  	[smem:$0x7FF] =	sst s5;
	s6 =	sadd.s32 $0x17400, s8;
	s14 =	smul.u32 $0x50000, s0  }
0x8: {  	s31 =	sshll.u32 s0, $0x6;
	s2 =	sor.u32 s9, s28;
	s10 =	smul.u32 $0x2800, s9  }
0x9: {  	s29 =	ssub.s32 $0x2, s9;
	s7 =	smul.u32 $0x500, s2;
	s2 =	rddreg [dreg:$0x4]  }
0xa: {  	_ =	strace $0x80000047;
	s9 =	sshrl.u32 s29, $0x1;
	s30 =	sshrl.u32 s14, $0x2  }
0xb: {  	s18 =	sadd.s32 s11, s4;
	s10 =	sadd.s32 s11, s10;
	s16 =	ssub.s32 s29, s9  }
0xc: {  	s17 =	sadd.s32 s30, s3;
	s12 =	sadd.s32 s7, s8;
	s7 =	sadd.s32 $0x3F400, s8  }
0xd: {  	s13 =	sshll.u32 s10, $0x4;
	s10 =	sshrl.u32 s10, $0x3;
	s14 =	sshrl.u32 s17, $0x3  }
0xe: {  	s17 =	sshrl.u32 s18, $0x3;
	s18 =	simm.s32 $0x80;
	s13 =	sadd.s32 s13, s8  }
0xf: {  	s15 =	sadd.s32 s10, s8;
	s8 =	sor.u32 $0x1C02, s31;
	s9 =	sadd.s32 $0x3400, s12  }
0x10: {  	s10 =	sadd.s32 $0xD400, s12;
	s11 =	sadd.s32 $0x42600, s13;
	s12 =	sadd.s32 $0x41C00, s15  }
0x11: {  	v0 =	vimm.f32 $1.000000000e+00;
	s13 =	smax.u32 s16, $0x1;
	s15 =	simm.s32 $0x2;
	s16 =	simm.s32 $0x2800  }
.LBB2_1:
0x12: {  	[spmem:s14], [sflag:s8] =	dma.local [hbm:s7], $0x2800  }
0x13: {  	_ =	swait.ge [sflag:s15], $0x2800  }
0x14: {  	[sflag:s15] =	ssyncset.done $0x0  }
0x15: {  	[sflag:s15] =	ssyncadd.s32 $0xFFFFD800  }
0x16: {  	[tilespmem:s5], [sflag:$0x2] =	stream.linear.gather [hbm4b:s9+s5], $0x2800, $0x38;
	[tilespmem:$0x1D300] =	vst v63  }
0x17: {  	_ =	swait.ge [sflag:s15], $0x2800  }
0x18: {  	[sflag:s15] =	ssyncset.done $0x0  }
0x19: {  	[sflag:s15] =	ssyncadd.s32 $0xFFFFD800  }
0x1a: {  	[tilespmem:s16], [sflag:$0x2] =	stream.linear.gather [hbm4b:s10+s5], $0x2800, $0x38;
	[tilespmem:$0x1D300] =	vst v63  }
0x1b: {  	_ =	swait.ge [sflag:s15], $0x2800  }
0x1c: {  	[sflag:s15] =	ssyncset.done $0x0  }
0x1d: {  	[sflag:s15] =	ssyncadd.s32 $0xFFFFD800  }
0x1e: {  	[spmem:s17], [sflag:s8] =	dma.local [hbm:s1], $0x50  }
0x1f: {  	_ =	swait.ge [sflag:s15], $0x50  }
0x20: {  	[sflag:s15] =	ssyncset.done $0x0  }
0x21: {  	[sflag:s15] =	ssyncadd.s32 $0xFFFFFFB0  }
0x22: {  	[tilespmem:$0x1D000] =	vst v0  }
0x23: {  	[tilespmem:$0x1D010] =	vst v0  }
0x24: {  	[tilespmem:$0x1D020] =	vst v0  }
0x25: {  	[tilespmem:$0x1D030] =	vst v0  }
0x26: {  	[tilespmem:$0x1D040] =	vst v0  }
0x27: {  	[tilespmem:$0x1D050] =	vst v0  }
0x28: {  	[tilespmem:$0x1D060] =	vst v0  }
0x29: {  	[tilespmem:$0x1D070] =	vst v0  }
0x2a: {  	s23 =	simm.s32 $0x0;
	[bflag:$0x0] =	sbarrier.arrive $0xFFFF  }
0x2b: {  	[tilespmem:s19], [sflag:$0x1] =	stream.indirect.gather [hbm4b:s6+s18], $0x80, s23, s18, $0xb8;
	[tilespmem:$0x1D300] =	vst v63  }
0x2c: {  	_ =	swait.ge [sflag:s20], $0x4000  }
0x2d: {  	[sflag:s20] =	ssyncset.done $0x0  }
0x2e: {  	s31 =	simm.s32 $0x2800;
	[sflag:s20] =	ssyncadd.s32 $0xFFFFC000  }
0x2f: {  	[spmem:s3] =	stream.indirect.scatter.add.f32 [tilespmem:s19], [sflag:$0x2], $0x80, s31, s18, $0xb8;
	[tilespmem:$0x1D300] =	vst v63  }
0x30: {  	_ =	swait.ge [sflag:s15], $0x4000  }
0x31: {  	[sflag:s15] =	ssyncset.done $0x0  }
0x32: {  	[sflag:s15] =	ssyncadd.s32 $0xFFFFC000  }
0x33: {  	[spmem:s4] =	stream.indirect.scatter.add.f32 [tilespmem:s21], [sflag:$0x2], $0x1, s31, s18, $0xb8;
	[tilespmem:$0x1D300] =	vst v63  }
0x34: {  	_ =	swait.ge [sflag:s15], $0x80  }
0x35: {  	s24 =	simm.s32 $0x400;
	s23 =	simm.s32 $0x200;
	[sflag:s15] =	ssyncset.done $0x0  }
.LBB2_2:
0x36: {  	s25 =	sshra.s32 s23, $0x2  }
0x37: {  	[sflag:s15] =	ssyncadd.s32 $0xFFFFFF80;
	s23 =	smov.u32 s24;
	s26 =	sadd.s32 $0x200, s24  }
0x38: {  	[tilespmem:s19], [sflag:$0x1] =	stream.indirect.gather [hbm4b:s6+s18], $0x80, s25, s18, $0xb8;
	[tilespmem:$0x1D300] =	vst v63  }
0x39: {  	p0 =	sne.s32 s24, $0x9E00;
	_ =	swait.ge [sflag:s20], $0x4000  }
0x3a: {  	[sflag:s20] =	ssyncset.done $0x0  }
0x3b: {  	s24 =	sadd.s32 $0x2800, s25;
	[sflag:s20] =	ssyncadd.s32 $0xFFFFC000  }
0x3c: {  	[spmem:s3] =	stream.indirect.scatter.add.f32 [tilespmem:s19], [sflag:$0x2], $0x80, s24, s18, $0xb8;
	[tilespmem:$0x1D300] =	vst v63  }
0x3d: {  	_ =	swait.ge [sflag:s15], $0x4000  }
.Ltmp0:
0x3e: {  	[sflag:s15] =	ssyncset.done $0x0;
	(pc) =	sbr.rel @p0 .LBB2_2-.Ltmp0, $4  }
0x3f: {  	[sflag:s15] =	ssyncadd.s32 $0xFFFFC000  }
0x40: {  	[spmem:s4] =	stream.indirect.scatter.add.f32 [tilespmem:s21], [sflag:$0x2], $0x1, s24, s18, $0xb8;
	[tilespmem:$0x1D300] =	vst v63  }
0x41: {  	_ =	swait.ge [sflag:s15], $0x80  }
0x42: {  	s24 =	smov.u32 s26;
	[sflag:s15] =	ssyncset.done $0x0  }
0x43: {  	s23 =	sshra.s32 s23, $0x2;
	[sflag:s15] =	ssyncadd.s32 $0xFFFFFF80  }
0x44: {  	[tilespmem:s19], [sflag:$0x1] =	stream.indirect.gather [hbm4b:s6+s18], $0x80, s23, s18, $0xb8;
	[tilespmem:$0x1D300] =	vst v63  }
0x45: {  	_ =	swait.ge [sflag:s20], $0x4000  }
0x46: {  	[sflag:s20] =	ssyncset.done $0x0  }
0x47: {  	s23 =	sadd.s32 $0x2800, s23;
	[sflag:s20] =	ssyncadd.s32 $0xFFFFC000  }
0x48: {  	[spmem:s3] =	stream.indirect.scatter.add.f32 [tilespmem:s19], [sflag:$0x2], $0x80, s23, s18, $0xb8;
	[tilespmem:$0x1D300] =	vst v63  }
0x49: {  	_ =	swait.ge [sflag:s15], $0x4000  }
0x4a: {  	[sflag:s15] =	ssyncset.done $0x0  }
0x4b: {  	[sflag:s15] =	ssyncadd.s32 $0xFFFFC000  }
0x4c: {  	[spmem:s4] =	stream.indirect.scatter.add.f32 [tilespmem:s21], [sflag:$0x2], $0x1, s23, s18, $0xb8;
	[tilespmem:$0x1D300] =	vst v63  }
0x4d: {  	_ =	swait.ge [sflag:s15], $0x80  }
0x4e: {  	[sflag:s15] =	ssyncset.done $0x0  }
0x4f: {  	[sflag:s15] =	ssyncadd.s32 $0xFFFFFF80  }
0x50: {  	[bflag:$0x0] =	sbarrier.arrive $0xFFFF  }
0x51: {  	[hbm:s11], [sflag:s8] =	dma.local [spmem:s14], $0x2800  }
0x52: {  	s22 =	sadd.s32 $0x1, s22;
	_ =	swait.ge [sflag:s15], $0x2800  }
0x53: {  	p0 =	sne.s32 s22, s13;
	[sflag:s15] =	ssyncset.done $0x0  }
.Ltmp1:
0x54: {  	[sflag:s15] =	ssyncadd.s32 $0xFFFFD800;
	(pc) =	sbr.rel @p0 .LBB2_1-.Ltmp1, $4  }
0x55: {  	[hbm:s12], [sflag:s8] =	dma.local [spmem:s17], $0x50  }
0x56: {  	_ =	swait.ge [sflag:s15], $0x50  }
0x57: {  	[sflag:s15] =	ssyncset.done $0x0  }
0x58: {  	[sflag:s15] =	ssyncadd.s32 $0xFFFFFFB0  }
0x59: {  	_ =	sfence.sel $0x180000  }
0x5a: {  	[bflag:$0x0] =	sbarrier.arrive $0xFFFF  }
0x5b: {  	p0 =	sne.s32 s0, $0x0;
	_ =	strace $0x90000047  }
0x5c: {  	s0 =	sadd.s32 @!p0 $0x100000, s2;
	[bflag:$0x2] =	sbarrier.arrive $0xFFFF  }
0x5d: {  	[sflag:s0] =	ssyncadd.tile.s32 @!p0 $0x1;
	_ =	shalt  }
.Lfunc_end2:
_tile_overlayer_lowered:
.L_overlay_start_2:
0x5e: {  	(tag) =	ssettag $0x2  }
0x5f: {  	s0 =	rddreg [dreg:$0x0];
	s2 =	stileid.u32  }
0x60: {  	s1 =	rddreg [dreg:$0x1];
	p0 =	sne.s32 s2, $0x0  }
0x61: {  	s3 =	rddreg [dreg:$0x2];
	[bflag:$0x3] =	sbarrier.arrive $0xFFFF;
	s2 =	simm.s32 @!p0 $0x1C02  }
0x62: {  	[timem:s3], [sflag:s2] =	dma.local @!p0 [hbm:s0], s1  }
0x63: {  	s0 =	simm.s32 @!p0 $0x2  }
0x64: {  	_ =	swait.ge @!p0 [sflag:s0], s1  }
0x65: {  	s1 =	ssub.s32 @!p0 $0x0, s1;
	[sflag:s0] =	ssyncset.done @!p0 $0x0  }
0x66: {  	[sflag:s0] =	ssyncadd.s32 @!p0 s1  }
0x67: {  	[bflag:$0x3] =	sbarrier.arrive $0xFFFF  }
0x68: {  	_ =	shalt  }

</sc_bundles>
